<compile_context>
chip_gen: v7x
topology: tpu7x:2x2x1
jax: 0.10.2.dev20260603
libtpu: 0.0.44.dev20260713+nightly
codegen_flags: <defaults>
</compile_context>

<pallas_src>
import functools
import math

import jax
import jax.numpy as jnp
from jax.experimental import pallas as pl

D = 256
H = 8
HID = 1024
L = 4
DH = D // H


def _body(x_ref, mem_ref, flags_ref, wq_ref, bq_ref, wk_ref, bk_ref,
          wv_ref, bv_ref, wo_ref, bo_ref, wf1_ref, bf1_ref, wf2_ref,
          bf2_ref, ws_ref, bs_ref, g1_ref, gb1_ref, g2_ref, gb2_ref,
          et_ref, e_ref, out_ref):
    f32 = jnp.float32
    bf16 = jnp.bfloat16
    x = x_ref[...]
    xb = x.astype(bf16)
    flags = flags_ref[...]
    scale = 1.0 / math.sqrt(DH)

    q = jnp.dot(xb, wq_ref[...], preferred_element_type=f32) + bq_ref[...]
    m = [mem_ref[:, l * D:(l + 1) * D] for l in range(L)]
    mb = [m[l].astype(bf16) for l in range(L)]
    k = [jnp.dot(mb[l], wk_ref[...], preferred_element_type=f32) + bk_ref[...]
         for l in range(L)]
    v = [jnp.dot(mb[l], wv_ref[...], preferred_element_type=f32) + bv_ref[...]
         for l in range(L)]

    et = et_ref[...]
    s = [jnp.dot((q * k[l]).astype(bf16), et, preferred_element_type=f32)
         * scale + flags[:, l:l + 1] for l in range(L)]
    mx = jnp.maximum(jnp.maximum(s[0], s[1]), jnp.maximum(s[2], s[3]))
    ex = [jnp.exp(s[l] - mx) for l in range(L)]
    den = ex[0] + ex[1] + ex[2] + ex[3]
    a = [ex[l] / den for l in range(L)]

    e_exp = e_ref[...]
    o = jnp.zeros_like(x)
    for l in range(L):
        o = o + jnp.dot(a[l].astype(bf16), e_exp,
                        preferred_element_type=f32) * v[l]
    o = jnp.dot(o.astype(bf16), wo_ref[...],
                preferred_element_type=f32) + bo_ref[...]

    def ln(y, g, b):
        mu = jnp.mean(y, axis=-1, keepdims=True)
        yc = y - mu
        var = jnp.mean(yc * yc, axis=-1, keepdims=True)
        return yc * jax.lax.rsqrt(var + 1e-5) * g + b

    e1 = ln(x + o, g1_ref[...], gb1_ref[...])
    h1 = jnp.maximum(
        jnp.dot(e1.astype(bf16), wf1_ref[...], preferred_element_type=f32)
        + bf1_ref[...], 0.0)
    e2 = jnp.dot(h1.astype(bf16), wf2_ref[...],
                 preferred_element_type=f32) + bf2_ref[...]
    e3 = ln(e1 + e2, g2_ref[...], gb2_ref[...])

    valid = flags[:, 4:5]
    saved = flags[:, 5:6]
    oe = jnp.where(valid > 0, e3, x)
    se = jnp.dot(oe.astype(bf16), ws_ref[...],
                 preferred_element_type=f32) + bs_ref[...]

    out_ref[:, 0:D] = oe
    for l in range(L - 1):
        out_ref[:, (l + 1) * D:(l + 2) * D] = jnp.where(
            saved > 0, m[l + 1], m[l])
    out_ref[:, L * D:(L + 1) * D] = jnp.where(saved > 0, se, m[L - 1])


@functools.partial(jax.jit, static_argnames=())
def kernel(output_embedding, scores, mem_padding_mask, save_period, mem_bank,
           save_proj_w, save_proj_b, in_proj_w, in_proj_b, out_proj_w,
           out_proj_b, fc1_w, fc1_b, fc2_w, fc2_b, ln1_g, ln1_b, ln2_g,
           ln2_b):
    f32 = jnp.float32
    n = output_embedding.shape[0]
    x = output_embedding
    mem2 = mem_bank.reshape(n, L * D)

    mask_add = jnp.where(mem_padding_mask, -1e9, 0.0).astype(f32)
    valid_f = (~mem_padding_mask[:, L - 1]).astype(f32)[:, None]
    saved_f = ((save_period == 0) & (scores > 0.0)).astype(f32)[:, None]
    flags = jnp.concatenate(
        [mask_add, valid_f, saved_f, jnp.zeros((n, 2), f32)], axis=1)

    wq = in_proj_w[:D].T
    wk = in_proj_w[D:2 * D].T
    wv = in_proj_w[2 * D:].T
    bq = in_proj_b[:D][None, :]
    bk = in_proj_b[D:2 * D][None, :]
    bv = in_proj_b[2 * D:][None, :]
    wo = out_proj_w.T
    bo = out_proj_b[None, :]
    wf1 = fc1_w.T
    bf1 = fc1_b[None, :]
    wf2 = fc2_w.T
    bf2 = fc2_b[None, :]
    ws = save_proj_w.T
    bs = save_proj_b[None, :]
    g1 = ln1_g[None, :]
    gb1 = ln1_b[None, :]
    g2 = ln2_g[None, :]
    gb2 = ln2_b[None, :]

    e_exp = jnp.repeat(jnp.eye(H, dtype=jnp.bfloat16), DH, axis=1)
    et = e_exp.T

    wq, wk, wv, wo, wf1, wf2, ws = (
        w.astype(jnp.bfloat16) for w in (wq, wk, wv, wo, wf1, wf2, ws))

    t = 512 if n % 512 == 0 else n
    grid = (n // t,)

    def row_spec(width):
        return pl.BlockSpec((t, width), lambda i: (i, 0))

    def const_spec(shape):
        return pl.BlockSpec(shape, lambda i: (0,) * len(shape))

    consts = [wq, bq, wk, bk, wv, bv, wo, bo, wf1, bf1, wf2, bf2, ws, bs,
              g1, gb1, g2, gb2, et, e_exp]
    out = pl.pallas_call(
        _body,
        grid=grid,
        in_specs=[row_spec(D), row_spec(L * D), row_spec(8)] +
                 [const_spec(c.shape) for c in consts],
        out_specs=row_spec((L + 1) * D),
        out_shape=jax.ShapeDtypeStruct((n, (L + 1) * D), f32),
    )(x, mem2, flags, *consts)
    return out.reshape(n, L + 1, D)

# --- scband reference (transcript-rebuilt; emitter-appended) ---
"""Pipeline reference for scband-memory-bank-25821343384040 (READ-ONLY COPY).

The authoritative reference and input builder live on the scoring server;
editing this copy changes nothing except your own understanding.
"""

import jax, jax.numpy as jnp
import numpy as np

D = 256
H = 8
HID = 1024
L = 4
N = 32768

def _ln(x, g, b, eps=1e-5):
    m = jnp.mean(x, axis=-1, keepdims=True)
    v = jnp.var(x, axis=-1, keepdims=True)
    return (x - m) / jnp.sqrt(v + eps) * g + b

def setup_inputs(seed: int = 0):
    key = jax.random.key(seed)
    ks = jax.random.split(key, 16)
    def xavier(k, shape):
        fan_out, fan_in = shape[0], shape[1]
        lim = (6.0 / (fan_in + fan_out)) ** 0.5
        return jax.random.uniform(k, shape, jnp.float32, -lim, lim)
    inp = {}
    inp["output_embedding"] = jax.random.normal(ks[0], (N, D), jnp.float32)
    inp["scores"] = jax.random.uniform(ks[1], (N,), jnp.float32)
    inp["mem_padding_mask"] = jnp.zeros((N, L), dtype=bool)
    inp["save_period"] = jax.random.randint(ks[2], (N,), 0, 3)
    inp["mem_bank"] = jax.random.normal(ks[3], (N, L, D), jnp.float32)
    inp["save_proj_w"] = xavier(ks[4], (D, D)); inp["save_proj_b"] = jnp.zeros((D,), jnp.float32)
    inp["in_proj_w"] = xavier(ks[5], (3 * D, D)); inp["in_proj_b"] = jnp.zeros((3 * D,), jnp.float32)
    inp["out_proj_w"] = xavier(ks[6], (D, D)); inp["out_proj_b"] = jnp.zeros((D,), jnp.float32)
    inp["fc1_w"] = xavier(ks[7], (HID, D)); inp["fc1_b"] = jnp.zeros((HID,), jnp.float32)
    inp["fc2_w"] = xavier(ks[8], (D, HID)); inp["fc2_b"] = jnp.zeros((D,), jnp.float32)
    inp["ln1_g"] = jnp.ones((D,), jnp.float32); inp["ln1_b"] = jnp.zeros((D,), jnp.float32)
    inp["ln2_g"] = jnp.ones((D,), jnp.float32); inp["ln2_b"] = jnp.zeros((D,), jnp.float32)
    return inp

def reference(output_embedding, scores, mem_padding_mask, save_period, mem_bank,
              save_proj_w, save_proj_b, in_proj_w, in_proj_b, out_proj_w, out_proj_b,
              fc1_w, fc1_b, fc2_w, fc2_b, ln1_g, ln1_b, ln2_g, ln2_b):
    dh = D // H
    x = output_embedding
    valid = ~mem_padding_mask[:, -1]
    # _forward_temporal_attn: per-track MultiheadAttention, query len 1, keys = mem_bank (len L)
    q = x @ in_proj_w[:D].T + in_proj_b[:D]
    k = mem_bank @ in_proj_w[D:2 * D].T + in_proj_b[D:2 * D]
    v = mem_bank @ in_proj_w[2 * D:].T + in_proj_b[2 * D:]
    qh = q.reshape(-1, H, dh)
    kh = k.reshape(-1, L, H, dh)
    vh = v.reshape(-1, L, H, dh)
    logits = jnp.einsum('nhd,nlhd->nhl', qh, kh) / jnp.sqrt(jnp.float32(dh))
    logits = jnp.where(mem_padding_mask[:, None, :], -1e9, logits)
    attn = jax.nn.softmax(logits, axis=-1)
    o = jnp.einsum('nhl,nlhd->nhd', attn, vh).reshape(-1, D)
    o = o @ out_proj_w.T + out_proj_b
    e = _ln(x + o, ln1_g, ln1_b)
    e2 = jnp.maximum(e @ fc1_w.T + fc1_b, 0.0) @ fc2_w.T + fc2_b
    e = _ln(e + e2, ln2_g, ln2_b)
    out_embed = jnp.where(valid[:, None], e, x)
    # update() in eval mode: masked scatter-overwrite into memory bank
    saved = (save_period == 0) & (scores > 0.0)
    save_embed = out_embed @ save_proj_w.T + save_proj_b
    shifted = jnp.concatenate([mem_bank[:, 1:], save_embed[:, None, :]], axis=1)
    mem_bank_new = jnp.where(saved[:, None, None], shifted, mem_bank)
    return jnp.concatenate([out_embed[:, None, :], mem_bank_new], axis=1)

if __name__ == "__main__":
    import jax
    _d = setup_inputs()
    print(jax.jit(kernel)(*tuple(_d.values())))

</pallas_src>

<mosaic_0001>
module attributes {stable_mosaic.version = 14 : i64} {
  func.func @_body(%arg0: i32, %arg1: memref<512x256xf32, #tpu.memory_space<vmem>>, %arg2: memref<512x1024xf32, #tpu.memory_space<vmem>>, %arg3: memref<512x8xf32, #tpu.memory_space<vmem>>, %arg4: memref<256x256xbf16, #tpu.memory_space<vmem>>, %arg5: memref<1x256xf32, #tpu.memory_space<vmem>>, %arg6: memref<256x256xbf16, #tpu.memory_space<vmem>>, %arg7: memref<1x256xf32, #tpu.memory_space<vmem>>, %arg8: memref<256x256xbf16, #tpu.memory_space<vmem>>, %arg9: memref<1x256xf32, #tpu.memory_space<vmem>>, %arg10: memref<256x256xbf16, #tpu.memory_space<vmem>>, %arg11: memref<1x256xf32, #tpu.memory_space<vmem>>, %arg12: memref<256x1024xbf16, #tpu.memory_space<vmem>>, %arg13: memref<1x1024xf32, #tpu.memory_space<vmem>>, %arg14: memref<1024x256xbf16, #tpu.memory_space<vmem>>, %arg15: memref<1x256xf32, #tpu.memory_space<vmem>>, %arg16: memref<256x256xbf16, #tpu.memory_space<vmem>>, %arg17: memref<1x256xf32, #tpu.memory_space<vmem>>, %arg18: memref<1x256xf32, #tpu.memory_space<vmem>>, %arg19: memref<1x256xf32, #tpu.memory_space<vmem>>, %arg20: memref<1x256xf32, #tpu.memory_space<vmem>>, %arg21: memref<1x256xf32, #tpu.memory_space<vmem>>, %arg22: memref<256x8xbf16, #tpu.memory_space<vmem>>, %arg23: memref<8x256xbf16, #tpu.memory_space<vmem>>, %arg24: memref<512x1280xf32, #tpu.memory_space<vmem>>) attributes {dimension_semantics = [#tpu.dimension_semantics<arbitrary>], iteration_bounds = array<i64: 64>, scalar_prefetch = 0 : i64, scratch_operands = 0 : i64, tpu.core_type = #tpu.core_type<tc>, window_params = [{transform_indices = @transform_0, window_bounds = array<i64: 512, 256>}, {transform_indices = @transform_1, window_bounds = array<i64: 512, 1024>}, {transform_indices = @transform_2, window_bounds = array<i64: 512, 8>}, {pipeline_mode = #tpu.pipeline_mode<synchronous>, transform_indices = @transform_3, window_bounds = array<i64: 256, 256>}, {pipeline_mode = #tpu.pipeline_mode<synchronous>, transform_indices = @transform_4, window_bounds = array<i64: 1, 256>}, {pipeline_mode = #tpu.pipeline_mode<synchronous>, transform_indices = @transform_5, window_bounds = array<i64: 256, 256>}, {pipeline_mode = #tpu.pipeline_mode<synchronous>, transform_indices = @transform_6, window_bounds = array<i64: 1, 256>}, {pipeline_mode = #tpu.pipeline_mode<synchronous>, transform_indices = @transform_7, window_bounds = array<i64: 256, 256>}, {pipeline_mode = #tpu.pipeline_mode<synchronous>, transform_indices = @transform_8, window_bounds = array<i64: 1, 256>}, {pipeline_mode = #tpu.pipeline_mode<synchronous>, transform_indices = @transform_9, window_bounds = array<i64: 256, 256>}, {pipeline_mode = #tpu.pipeline_mode<synchronous>, transform_indices = @transform_10, window_bounds = array<i64: 1, 256>}, {pipeline_mode = #tpu.pipeline_mode<synchronous>, transform_indices = @transform_11, window_bounds = array<i64: 256, 1024>}, {pipeline_mode = #tpu.pipeline_mode<synchronous>, transform_indices = @transform_12, window_bounds = array<i64: 1, 1024>}, {pipeline_mode = #tpu.pipeline_mode<synchronous>, transform_indices = @transform_13, window_bounds = array<i64: 1024, 256>}, {pipeline_mode = #tpu.pipeline_mode<synchronous>, transform_indices = @transform_14, window_bounds = array<i64: 1, 256>}, {pipeline_mode = #tpu.pipeline_mode<synchronous>, transform_indices = @transform_15, window_bounds = array<i64: 256, 256>}, {pipeline_mode = #tpu.pipeline_mode<synchronous>, transform_indices = @transform_16, window_bounds = array<i64: 1, 256>}, {pipeline_mode = #tpu.pipeline_mode<synchronous>, transform_indices = @transform_17, window_bounds = array<i64: 1, 256>}, {pipeline_mode = #tpu.pipeline_mode<synchronous>, transform_indices = @transform_18, window_bounds = array<i64: 1, 256>}, {pipeline_mode = #tpu.pipeline_mode<synchronous>, transform_indices = @transform_19, window_bounds = array<i64: 1, 256>}, {pipeline_mode = #tpu.pipeline_mode<synchronous>, transform_indices = @transform_20, window_bounds = array<i64: 1, 256>}, {pipeline_mode = #tpu.pipeline_mode<synchronous>, transform_indices = @transform_21, window_bounds = array<i64: 256, 8>}, {pipeline_mode = #tpu.pipeline_mode<synchronous>, transform_indices = @transform_22, window_bounds = array<i64: 8, 256>}, {transform_indices = @transform_23, window_bounds = array<i64: 512, 1280>}]} {
    %get3A = arith.constant 0 : index
    %get3A_0 = arith.constant 0 : index
    %get3A_1 = vector.load %arg1[%get3A, %get3A_0] : memref<512x256xf32, #tpu.memory_space<vmem>>, vector<512x256xf32>
    %convert_element_type3A = arith.truncf %get3A_1 : vector<512x256xf32> to vector<512x256xbf16>
    %get3A_2 = arith.constant 0 : index
    %get3A_3 = arith.constant 0 : index
    %get3A_4 = vector.load %arg3[%get3A_2, %get3A_3] : memref<512x8xf32, #tpu.memory_space<vmem>>, vector<512x8xf32>
    %get3A_5 = arith.constant 0 : index
    %get3A_6 = arith.constant 0 : index
    %get3A_7 = vector.load %arg4[%get3A_5, %get3A_6] : memref<256x256xbf16, #tpu.memory_space<vmem>>, vector<256x256xbf16>
    %dot_general3A = arith.constant dense<0.000000e+00> : vector<512x256xf32>
    %dot_general3A_8 = tpu.matmul %convert_element_type3A, %get3A_7, %dot_general3A {dimension_numbers = #tpu.dot_dimension_numbers<[1], [0], [0], [1], [0, 0, 1, 1], [], []>, transpose_lhs_hint = false} : vector<512x256xbf16>, vector<256x256xbf16>, vector<512x256xf32> -> vector<512x256xf32>
    %get3A_9 = arith.constant 0 : index
    %get3A_10 = arith.constant 0 : index
    %get3A_11 = vector.load %arg5[%get3A_9, %get3A_10] : memref<1x256xf32, #tpu.memory_space<vmem>>, vector<1x256xf32>
    %add3A = vector.broadcast %get3A_11 : vector<1x256xf32> to vector<512x256xf32>
    %add3A_12 = arith.addf %dot_general3A_8, %add3A : vector<512x256xf32>
    %get3A_13 = arith.constant 0 : index
    %get3A_14 = arith.constant 0 : index
    %get3A_15 = vector.load %arg2[%get3A_13, %get3A_14] : memref<512x1024xf32, #tpu.memory_space<vmem>>, vector<512x256xf32>
    %get3A_16 = arith.constant 0 : index
    %get3A_17 = arith.constant 256 : index
    %get3A_18 = vector.load %arg2[%get3A_16, %get3A_17] : memref<512x1024xf32, #tpu.memory_space<vmem>>, vector<512x256xf32>
    %get3A_19 = arith.constant 0 : index
    %get3A_20 = arith.constant 512 : index
    %get3A_21 = vector.load %arg2[%get3A_19, %get3A_20] : memref<512x1024xf32, #tpu.memory_space<vmem>>, vector<512x256xf32>
    %get3A_22 = arith.constant 0 : index
    %get3A_23 = arith.constant 768 : index
    %get3A_24 = vector.load %arg2[%get3A_22, %get3A_23] : memref<512x1024xf32, #tpu.memory_space<vmem>>, vector<512x256xf32>
    %convert_element_type3A_25 = arith.truncf %get3A_15 : vector<512x256xf32> to vector<512x256xbf16>
    %convert_element_type3A_26 = arith.truncf %get3A_18 : vector<512x256xf32> to vector<512x256xbf16>
    %convert_element_type3A_27 = arith.truncf %get3A_21 : vector<512x256xf32> to vector<512x256xbf16>
    %convert_element_type3A_28 = arith.truncf %get3A_24 : vector<512x256xf32> to vector<512x256xbf16>
    %get3A_29 = arith.constant 0 : index
    %get3A_30 = arith.constant 0 : index
    %get3A_31 = vector.load %arg6[%get3A_29, %get3A_30] : memref<256x256xbf16, #tpu.memory_space<vmem>>, vector<256x256xbf16>
    %dot_general3A_32 = arith.constant dense<0.000000e+00> : vector<512x256xf32>
    %dot_general3A_33 = tpu.matmul %convert_element_type3A_25, %get3A_31, %dot_general3A_32 {dimension_numbers = #tpu.dot_dimension_numbers<[1], [0], [0], [1], [0, 0, 1, 1], [], []>, transpose_lhs_hint = false} : vector<512x256xbf16>, vector<256x256xbf16>, vector<512x256xf32> -> vector<512x256xf32>
    %get3A_34 = arith.constant 0 : index
    %get3A_35 = arith.constant 0 : index
    %get3A_36 = vector.load %arg7[%get3A_34, %get3A_35] : memref<1x256xf32, #tpu.memory_space<vmem>>, vector<1x256xf32>
    %add3A_37 = vector.broadcast %get3A_36 : vector<1x256xf32> to vector<512x256xf32>
    %add3A_38 = arith.addf %dot_general3A_33, %add3A_37 : vector<512x256xf32>
    %get3A_39 = arith.constant 0 : index
    %get3A_40 = arith.constant 0 : index
    %get3A_41 = vector.load %arg6[%get3A_39, %get3A_40] : memref<256x256xbf16, #tpu.memory_space<vmem>>, vector<256x256xbf16>
    %dot_general3A_42 = arith.constant dense<0.000000e+00> : vector<512x256xf32>
    %dot_general3A_43 = tpu.matmul %convert_element_type3A_26, %get3A_41, %dot_general3A_42 {dimension_numbers = #tpu.dot_dimension_numbers<[1], [0], [0], [1], [0, 0, 1, 1], [], []>, transpose_lhs_hint = false} : vector<512x256xbf16>, vector<256x256xbf16>, vector<512x256xf32> -> vector<512x256xf32>
    %get3A_44 = arith.constant 0 : index
    %get3A_45 = arith.constant 0 : index
    %get3A_46 = vector.load %arg7[%get3A_44, %get3A_45] : memref<1x256xf32, #tpu.memory_space<vmem>>, vector<1x256xf32>
    %add3A_47 = vector.broadcast %get3A_46 : vector<1x256xf32> to vector<512x256xf32>
    %add3A_48 = arith.addf %dot_general3A_43, %add3A_47 : vector<512x256xf32>
    %get3A_49 = arith.constant 0 : index
    %get3A_50 = arith.constant 0 : index
    %get3A_51 = vector.load %arg6[%get3A_49, %get3A_50] : memref<256x256xbf16, #tpu.memory_space<vmem>>, vector<256x256xbf16>
    %dot_general3A_52 = arith.constant dense<0.000000e+00> : vector<512x256xf32>
    %dot_general3A_53 = tpu.matmul %convert_element_type3A_27, %get3A_51, %dot_general3A_52 {dimension_numbers = #tpu.dot_dimension_numbers<[1], [0], [0], [1], [0, 0, 1, 1], [], []>, transpose_lhs_hint = false} : vector<512x256xbf16>, vector<256x256xbf16>, vector<512x256xf32> -> vector<512x256xf32>
    %get3A_54 = arith.constant 0 : index
    %get3A_55 = arith.constant 0 : index
    %get3A_56 = vector.load %arg7[%get3A_54, %get3A_55] : memref<1x256xf32, #tpu.memory_space<vmem>>, vector<1x256xf32>
    %add3A_57 = vector.broadcast %get3A_56 : vector<1x256xf32> to vector<512x256xf32>
    %add3A_58 = arith.addf %dot_general3A_53, %add3A_57 : vector<512x256xf32>
    %get3A_59 = arith.constant 0 : index
    %get3A_60 = arith.constant 0 : index
    %get3A_61 = vector.load %arg6[%get3A_59, %get3A_60] : memref<256x256xbf16, #tpu.memory_space<vmem>>, vector<256x256xbf16>
    %dot_general3A_62 = arith.constant dense<0.000000e+00> : vector<512x256xf32>
    %dot_general3A_63 = tpu.matmul %convert_element_type3A_28, %get3A_61, %dot_general3A_62 {dimension_numbers = #tpu.dot_dimension_numbers<[1], [0], [0], [1], [0, 0, 1, 1], [], []>, transpose_lhs_hint = false} : vector<512x256xbf16>, vector<256x256xbf16>, vector<512x256xf32> -> vector<512x256xf32>
    %get3A_64 = arith.constant 0 : index
    %get3A_65 = arith.constant 0 : index
    %get3A_66 = vector.load %arg7[%get3A_64, %get3A_65] : memref<1x256xf32, #tpu.memory_space<vmem>>, vector<1x256xf32>
    %add3A_67 = vector.broadcast %get3A_66 : vector<1x256xf32> to vector<512x256xf32>
    %add3A_68 = arith.addf %dot_general3A_63, %add3A_67 : vector<512x256xf32>
    %get3A_69 = arith.constant 0 : index
    %get3A_70 = arith.constant 0 : index
    %get3A_71 = vector.load %arg8[%get3A_69, %get3A_70] : memref<256x256xbf16, #tpu.memory_space<vmem>>, vector<256x256xbf16>
    %dot_general3A_72 = arith.constant dense<0.000000e+00> : vector<512x256xf32>
    %dot_general3A_73 = tpu.matmul %convert_element_type3A_25, %get3A_71, %dot_general3A_72 {dimension_numbers = #tpu.dot_dimension_numbers<[1], [0], [0], [1], [0, 0, 1, 1], [], []>, transpose_lhs_hint = false} : vector<512x256xbf16>, vector<256x256xbf16>, vector<512x256xf32> -> vector<512x256xf32>
    %get3A_74 = arith.constant 0 : index
    %get3A_75 = arith.constant 0 : index
    %get3A_76 = vector.load %arg9[%get3A_74, %get3A_75] : memref<1x256xf32, #tpu.memory_space<vmem>>, vector<1x256xf32>
    %add3A_77 = vector.broadcast %get3A_76 : vector<1x256xf32> to vector<512x256xf32>
    %add3A_78 = arith.addf %dot_general3A_73, %add3A_77 : vector<512x256xf32>
    %get3A_79 = arith.constant 0 : index
    %get3A_80 = arith.constant 0 : index
    %get3A_81 = vector.load %arg8[%get3A_79, %get3A_80] : memref<256x256xbf16, #tpu.memory_space<vmem>>, vector<256x256xbf16>
    %dot_general3A_82 = arith.constant dense<0.000000e+00> : vector<512x256xf32>
    %dot_general3A_83 = tpu.matmul %convert_element_type3A_26, %get3A_81, %dot_general3A_82 {dimension_numbers = #tpu.dot_dimension_numbers<[1], [0], [0], [1], [0, 0, 1, 1], [], []>, transpose_lhs_hint = false} : vector<512x256xbf16>, vector<256x256xbf16>, vector<512x256xf32> -> vector<512x256xf32>
    %get3A_84 = arith.constant 0 : index
    %get3A_85 = arith.constant 0 : index
    %get3A_86 = vector.load %arg9[%get3A_84, %get3A_85] : memref<1x256xf32, #tpu.memory_space<vmem>>, vector<1x256xf32>
    %add3A_87 = vector.broadcast %get3A_86 : vector<1x256xf32> to vector<512x256xf32>
    %add3A_88 = arith.addf %dot_general3A_83, %add3A_87 : vector<512x256xf32>
    %get3A_89 = arith.constant 0 : index
    %get3A_90 = arith.constant 0 : index
    %get3A_91 = vector.load %arg8[%get3A_89, %get3A_90] : memref<256x256xbf16, #tpu.memory_space<vmem>>, vector<256x256xbf16>
    %dot_general3A_92 = arith.constant dense<0.000000e+00> : vector<512x256xf32>
    %dot_general3A_93 = tpu.matmul %convert_element_type3A_27, %get3A_91, %dot_general3A_92 {dimension_numbers = #tpu.dot_dimension_numbers<[1], [0], [0], [1], [0, 0, 1, 1], [], []>, transpose_lhs_hint = false} : vector<512x256xbf16>, vector<256x256xbf16>, vector<512x256xf32> -> vector<512x256xf32>
    %get3A_94 = arith.constant 0 : index
    %get3A_95 = arith.constant 0 : index
    %get3A_96 = vector.load %arg9[%get3A_94, %get3A_95] : memref<1x256xf32, #tpu.memory_space<vmem>>, vector<1x256xf32>
    %add3A_97 = vector.broadcast %get3A_96 : vector<1x256xf32> to vector<512x256xf32>
    %add3A_98 = arith.addf %dot_general3A_93, %add3A_97 : vector<512x256xf32>
    %get3A_99 = arith.constant 0 : index
    %get3A_100 = arith.constant 0 : index
    %get3A_101 = vector.load %arg8[%get3A_99, %get3A_100] : memref<256x256xbf16, #tpu.memory_space<vmem>>, vector<256x256xbf16>
    %dot_general3A_102 = arith.constant dense<0.000000e+00> : vector<512x256xf32>
    %dot_general3A_103 = tpu.matmul %convert_element_type3A_28, %get3A_101, %dot_general3A_102 {dimension_numbers = #tpu.dot_dimension_numbers<[1], [0], [0], [1], [0, 0, 1, 1], [], []>, transpose_lhs_hint = false} : vector<512x256xbf16>, vector<256x256xbf16>, vector<512x256xf32> -> vector<512x256xf32>
    %get3A_104 = arith.constant 0 : index
    %get3A_105 = arith.constant 0 : index
    %get3A_106 = vector.load %arg9[%get3A_104, %get3A_105] : memref<1x256xf32, #tpu.memory_space<vmem>>, vector<1x256xf32>
    %add3A_107 = vector.broadcast %get3A_106 : vector<1x256xf32> to vector<512x256xf32>
    %add3A_108 = arith.addf %dot_general3A_103, %add3A_107 : vector<512x256xf32>
    %get3A_109 = arith.constant 0 : index
    %get3A_110 = arith.constant 0 : index
    %get3A_111 = vector.load %arg22[%get3A_109, %get3A_110] : memref<256x8xbf16, #tpu.memory_space<vmem>>, vector<256x8xbf16>
    %mul3A = arith.mulf %add3A_12, %add3A_38 : vector<512x256xf32>
    %convert_element_type3A_112 = arith.truncf %mul3A : vector<512x256xf32> to vector<512x256xbf16>
    %dot_general3A_113 = arith.constant dense<0.000000e+00> : vector<512x8xf32>
    %dot_general3A_114 = tpu.matmul %convert_element_type3A_112, %get3A_111, %dot_general3A_113 {dimension_numbers = #tpu.dot_dimension_numbers<[1], [0], [0], [1], [0, 0, 1, 1], [], []>, transpose_lhs_hint = false} : vector<512x256xbf16>, vector<256x8xbf16>, vector<512x8xf32> -> vector<512x8xf32>
    %mul3A_115 = arith.constant 0.176776692 : f32
    %mul3A_116 = vector.broadcast %mul3A_115 : f32 to vector<512x8xf32>
    %mul3A_117 = arith.mulf %dot_general3A_114, %mul3A_116 : vector<512x8xf32>
    %slice3A = vector.extract_strided_slice %get3A_4 {offsets = [0, 0], sizes = [512, 1], strides = [1, 1]} : vector<512x8xf32> to vector<512x1xf32>
    %add3A_118 = vector.broadcast %slice3A : vector<512x1xf32> to vector<512x8xf32>
    %add3A_119 = arith.addf %mul3A_117, %add3A_118 : vector<512x8xf32>
    %mul3A_120 = arith.mulf %add3A_12, %add3A_48 : vector<512x256xf32>
    %convert_element_type3A_121 = arith.truncf %mul3A_120 : vector<512x256xf32> to vector<512x256xbf16>
    %dot_general3A_122 = arith.constant dense<0.000000e+00> : vector<512x8xf32>
    %dot_general3A_123 = tpu.matmul %convert_element_type3A_121, %get3A_111, %dot_general3A_122 {dimension_numbers = #tpu.dot_dimension_numbers<[1], [0], [0], [1], [0, 0, 1, 1], [], []>, transpose_lhs_hint = false} : vector<512x256xbf16>, vector<256x8xbf16>, vector<512x8xf32> -> vector<512x8xf32>
    %mul3A_124 = arith.constant 0.176776692 : f32
    %mul3A_125 = vector.broadcast %mul3A_124 : f32 to vector<512x8xf32>
    %mul3A_126 = arith.mulf %dot_general3A_123, %mul3A_125 : vector<512x8xf32>
    %slice3A_127 = vector.extract_strided_slice %get3A_4 {offsets = [0, 1], sizes = [512, 1], strides = [1, 1]} : vector<512x8xf32> to vector<512x1xf32>
    %add3A_128 = vector.broadcast %slice3A_127 : vector<512x1xf32> to vector<512x8xf32>
    %add3A_129 = arith.addf %mul3A_126, %add3A_128 : vector<512x8xf32>
    %mul3A_130 = arith.mulf %add3A_12, %add3A_58 : vector<512x256xf32>
    %convert_element_type3A_131 = arith.truncf %mul3A_130 : vector<512x256xf32> to vector<512x256xbf16>
    %dot_general3A_132 = arith.constant dense<0.000000e+00> : vector<512x8xf32>
    %dot_general3A_133 = tpu.matmul %convert_element_type3A_131, %get3A_111, %dot_general3A_132 {dimension_numbers = #tpu.dot_dimension_numbers<[1], [0], [0], [1], [0, 0, 1, 1], [], []>, transpose_lhs_hint = false} : vector<512x256xbf16>, vector<256x8xbf16>, vector<512x8xf32> -> vector<512x8xf32>
    %mul3A_134 = arith.constant 0.176776692 : f32
    %mul3A_135 = vector.broadcast %mul3A_134 : f32 to vector<512x8xf32>
    %mul3A_136 = arith.mulf %dot_general3A_133, %mul3A_135 : vector<512x8xf32>
    %slice3A_137 = vector.extract_strided_slice %get3A_4 {offsets = [0, 2], sizes = [512, 1], strides = [1, 1]} : vector<512x8xf32> to vector<512x1xf32>
    %add3A_138 = vector.broadcast %slice3A_137 : vector<512x1xf32> to vector<512x8xf32>
    %add3A_139 = arith.addf %mul3A_136, %add3A_138 : vector<512x8xf32>
    %mul3A_140 = arith.mulf %add3A_12, %add3A_68 : vector<512x256xf32>
    %convert_element_type3A_141 = arith.truncf %mul3A_140 : vector<512x256xf32> to vector<512x256xbf16>
    %dot_general3A_142 = arith.constant dense<0.000000e+00> : vector<512x8xf32>
    %dot_general3A_143 = tpu.matmul %convert_element_type3A_141, %get3A_111, %dot_general3A_142 {dimension_numbers = #tpu.dot_dimension_numbers<[1], [0], [0], [1], [0, 0, 1, 1], [], []>, transpose_lhs_hint = false} : vector<512x256xbf16>, vector<256x8xbf16>, vector<512x8xf32> -> vector<512x8xf32>
    %mul3A_144 = arith.constant 0.176776692 : f32
    %mul3A_145 = vector.broadcast %mul3A_144 : f32 to vector<512x8xf32>
    %mul3A_146 = arith.mulf %dot_general3A_143, %mul3A_145 : vector<512x8xf32>
    %slice3A_147 = vector.extract_strided_slice %get3A_4 {offsets = [0, 3], sizes = [512, 1], strides = [1, 1]} : vector<512x8xf32> to vector<512x1xf32>
    %add3A_148 = vector.broadcast %slice3A_147 : vector<512x1xf32> to vector<512x8xf32>
    %add3A_149 = arith.addf %mul3A_146, %add3A_148 : vector<512x8xf32>
    %max3A = arith.maximumf %add3A_119, %add3A_129 : vector<512x8xf32>
    %max3A_150 = arith.maximumf %add3A_139, %add3A_149 : vector<512x8xf32>
    %max3A_151 = arith.maximumf %max3A, %max3A_150 : vector<512x8xf32>
    %sub3A = arith.subf %add3A_119, %max3A_151 : vector<512x8xf32>
    %exp3A = math.exp %sub3A : vector<512x8xf32>
    %sub3A_152 = arith.subf %add3A_129, %max3A_151 : vector<512x8xf32>
    %exp3A_153 = math.exp %sub3A_152 : vector<512x8xf32>
    %sub3A_154 = arith.subf %add3A_139, %max3A_151 : vector<512x8xf32>
    %exp3A_155 = math.exp %sub3A_154 : vector<512x8xf32>
    %sub3A_156 = arith.subf %add3A_149, %max3A_151 : vector<512x8xf32>
    %exp3A_157 = math.exp %sub3A_156 : vector<512x8xf32>
    %add3A_158 = arith.addf %exp3A, %exp3A_153 : vector<512x8xf32>
    %add3A_159 = arith.addf %add3A_158, %exp3A_155 : vector<512x8xf32>
    %add3A_160 = arith.addf %add3A_159, %exp3A_157 : vector<512x8xf32>
    %div3A = arith.divf %exp3A, %add3A_160 : vector<512x8xf32>
    %div3A_161 = arith.divf %exp3A_153, %add3A_160 : vector<512x8xf32>
    %div3A_162 = arith.divf %exp3A_155, %add3A_160 : vector<512x8xf32>
    %div3A_163 = arith.divf %exp3A_157, %add3A_160 : vector<512x8xf32>
    %get3A_164 = arith.constant 0 : index
    %get3A_165 = arith.constant 0 : index
    %get3A_166 = vector.load %arg23[%get3A_164, %get3A_165] : memref<8x256xbf16, #tpu.memory_space<vmem>>, vector<8x256xbf16>
    %broadcast_in_dim3A = arith.constant 0.000000e+00 : f32
    %broadcast_in_dim3A_167 = vector.broadcast %broadcast_in_dim3A : f32 to vector<512x256xf32>
    %convert_element_type3A_168 = arith.truncf %div3A : vector<512x8xf32> to vector<512x8xbf16>
    %dot_general3A_169 = arith.constant dense<0.000000e+00> : vector<512x256xf32>
    %dot_general3A_170 = tpu.matmul %convert_element_type3A_168, %get3A_166, %dot_general3A_169 {dimension_numbers = #tpu.dot_dimension_numbers<[1], [0], [0], [1], [0, 0, 1, 1], [], []>, transpose_lhs_hint = false} : vector<512x8xbf16>, vector<8x256xbf16>, vector<512x256xf32> -> vector<512x256xf32>
    %mul3A_171 = arith.mulf %dot_general3A_170, %add3A_78 : vector<512x256xf32>
    %add3A_172 = arith.addf %broadcast_in_dim3A_167, %mul3A_171 : vector<512x256xf32>
    %convert_element_type3A_173 = arith.truncf %div3A_161 : vector<512x8xf32> to vector<512x8xbf16>
    %dot_general3A_174 = arith.constant dense<0.000000e+00> : vector<512x256xf32>
    %dot_general3A_175 = tpu.matmul %convert_element_type3A_173, %get3A_166, %dot_general3A_174 {dimension_numbers = #tpu.dot_dimension_numbers<[1], [0], [0], [1], [0, 0, 1, 1], [], []>, transpose_lhs_hint = false} : vector<512x8xbf16>, vector<8x256xbf16>, vector<512x256xf32> -> vector<512x256xf32>
    %mul3A_176 = arith.mulf %dot_general3A_175, %add3A_88 : vector<512x256xf32>
    %add3A_177 = arith.addf %add3A_172, %mul3A_176 : vector<512x256xf32>
    %convert_element_type3A_178 = arith.truncf %div3A_162 : vector<512x8xf32> to vector<512x8xbf16>
    %dot_general3A_179 = arith.constant dense<0.000000e+00> : vector<512x256xf32>
    %dot_general3A_180 = tpu.matmul %convert_element_type3A_178, %get3A_166, %dot_general3A_179 {dimension_numbers = #tpu.dot_dimension_numbers<[1], [0], [0], [1], [0, 0, 1, 1], [], []>, transpose_lhs_hint = false} : vector<512x8xbf16>, vector<8x256xbf16>, vector<512x256xf32> -> vector<512x256xf32>
    %mul3A_181 = arith.mulf %dot_general3A_180, %add3A_98 : vector<512x256xf32>
    %add3A_182 = arith.addf %add3A_177, %mul3A_181 : vector<512x256xf32>
    %convert_element_type3A_183 = arith.truncf %div3A_163 : vector<512x8xf32> to vector<512x8xbf16>
    %dot_general3A_184 = arith.constant dense<0.000000e+00> : vector<512x256xf32>
    %dot_general3A_185 = tpu.matmul %convert_element_type3A_183, %get3A_166, %dot_general3A_184 {dimension_numbers = #tpu.dot_dimension_numbers<[1], [0], [0], [1], [0, 0, 1, 1], [], []>, transpose_lhs_hint = false} : vector<512x8xbf16>, vector<8x256xbf16>, vector<512x256xf32> -> vector<512x256xf32>
    %mul3A_186 = arith.mulf %dot_general3A_185, %add3A_108 : vector<512x256xf32>
    %add3A_187 = arith.addf %add3A_182, %mul3A_186 : vector<512x256xf32>
    %convert_element_type3A_188 = arith.truncf %add3A_187 : vector<512x256xf32> to vector<512x256xbf16>
    %get3A_189 = arith.constant 0 : index
    %get3A_190 = arith.constant 0 : index
    %get3A_191 = vector.load %arg10[%get3A_189, %get3A_190] : memref<256x256xbf16, #tpu.memory_space<vmem>>, vector<256x256xbf16>
    %dot_general3A_192 = arith.constant dense<0.000000e+00> : vector<512x256xf32>
    %dot_general3A_193 = tpu.matmul %convert_element_type3A_188, %get3A_191, %dot_general3A_192 {dimension_numbers = #tpu.dot_dimension_numbers<[1], [0], [0], [1], [0, 0, 1, 1], [], []>, transpose_lhs_hint = false} : vector<512x256xbf16>, vector<256x256xbf16>, vector<512x256xf32> -> vector<512x256xf32>
    %get3A_194 = arith.constant 0 : index
    %get3A_195 = arith.constant 0 : index
    %get3A_196 = vector.load %arg11[%get3A_194, %get3A_195] : memref<1x256xf32, #tpu.memory_space<vmem>>, vector<1x256xf32>
    %add3A_197 = vector.broadcast %get3A_196 : vector<1x256xf32> to vector<512x256xf32>
    %add3A_198 = arith.addf %dot_general3A_193, %add3A_197 : vector<512x256xf32>
    %add3A_199 = arith.addf %get3A_1, %add3A_198 : vector<512x256xf32>
    %get3A_200 = arith.constant 0 : index
    %get3A_201 = arith.constant 0 : index
    %get3A_202 = vector.load %arg18[%get3A_200, %get3A_201] : memref<1x256xf32, #tpu.memory_space<vmem>>, vector<1x256xf32>
    %get3A_203 = arith.constant 0 : index
    %get3A_204 = arith.constant 0 : index
    %get3A_205 = vector.load %arg19[%get3A_203, %get3A_204] : memref<1x256xf32, #tpu.memory_space<vmem>>, vector<1x256xf32>
    %reduce_sum3A = arith.constant dense<0.000000e+00> : vector<512xf32>
    %reduce_sum3A_206 = vector.multi_reduction <add>, %add3A_199, %reduce_sum3A [1] : vector<512x256xf32> to vector<512xf32>
    %broadcast_in_dim3A_207 = vector.shape_cast %reduce_sum3A_206 : vector<512xf32> to vector<512x1xf32>
    %div3A_208 = arith.constant 2.560000e+02 : f32
    %div3A_209 = vector.broadcast %div3A_208 : f32 to vector<512x1xf32>
    %div3A_210 = arith.divf %broadcast_in_dim3A_207, %div3A_209 : vector<512x1xf32>
    %sub3A_211 = vector.broadcast %div3A_210 : vector<512x1xf32> to vector<512x256xf32>
    %sub3A_212 = arith.subf %add3A_199, %sub3A_211 : vector<512x256xf32>
    %mul3A_213 = arith.mulf %sub3A_212, %sub3A_212 : vector<512x256xf32>
    %reduce_sum3A_214 = arith.constant dense<0.000000e+00> : vector<512xf32>
    %reduce_sum3A_215 = vector.multi_reduction <add>, %mul3A_213, %reduce_sum3A_214 [1] : vector<512x256xf32> to vector<512xf32>
    %broadcast_in_dim3A_216 = vector.shape_cast %reduce_sum3A_215 : vector<512xf32> to vector<512x1xf32>
    %div3A_217 = arith.constant 2.560000e+02 : f32
    %div3A_218 = vector.broadcast %div3A_217 : f32 to vector<512x1xf32>
    %div3A_219 = arith.divf %broadcast_in_dim3A_216, %div3A_218 : vector<512x1xf32>
    %add3A_220 = arith.constant 9.99999974E-6 : f32
    %add3A_221 = vector.broadcast %add3A_220 : f32 to vector<512x1xf32>
    %add3A_222 = arith.addf %div3A_219, %add3A_221 : vector<512x1xf32>
    %rsqrt3A = math.rsqrt %add3A_222 : vector<512x1xf32>
    %mul3A_223 = vector.broadcast %rsqrt3A : vector<512x1xf32> to vector<512x256xf32>
    %mul3A_224 = arith.mulf %sub3A_212, %mul3A_223 : vector<512x256xf32>
    %mul3A_225 = vector.broadcast %get3A_202 : vector<1x256xf32> to vector<512x256xf32>
    %mul3A_226 = arith.mulf %mul3A_224, %mul3A_225 : vector<512x256xf32>
    %add3A_227 = vector.broadcast %get3A_205 : vector<1x256xf32> to vector<512x256xf32>
    %add3A_228 = arith.addf %mul3A_226, %add3A_227 : vector<512x256xf32>
    %convert_element_type3A_229 = arith.truncf %add3A_228 : vector<512x256xf32> to vector<512x256xbf16>
    %get3A_230 = arith.constant 0 : index
    %get3A_231 = arith.constant 0 : index
    %get3A_232 = vector.load %arg12[%get3A_230, %get3A_231] : memref<256x1024xbf16, #tpu.memory_space<vmem>>, vector<256x1024xbf16>
    %dot_general3A_233 = arith.constant dense<0.000000e+00> : vector<512x1024xf32>
    %dot_general3A_234 = tpu.matmul %convert_element_type3A_229, %get3A_232, %dot_general3A_233 {dimension_numbers = #tpu.dot_dimension_numbers<[1], [0], [0], [1], [0, 0, 1, 1], [], []>, transpose_lhs_hint = false} : vector<512x256xbf16>, vector<256x1024xbf16>, vector<512x1024xf32> -> vector<512x1024xf32>
    %get3A_235 = arith.constant 0 : index
    %get3A_236 = arith.constant 0 : index
    %get3A_237 = vector.load %arg13[%get3A_235, %get3A_236] : memref<1x1024xf32, #tpu.memory_space<vmem>>, vector<1x1024xf32>
    %add3A_238 = vector.broadcast %get3A_237 : vector<1x1024xf32> to vector<512x1024xf32>
    %add3A_239 = arith.addf %dot_general3A_234, %add3A_238 : vector<512x1024xf32>
    %max3A_240 = arith.constant 0.000000e+00 : f32
    %max3A_241 = vector.broadcast %max3A_240 : f32 to vector<512x1024xf32>
    %max3A_242 = arith.maximumf %add3A_239, %max3A_241 : vector<512x1024xf32>
    %convert_element_type3A_243 = arith.truncf %max3A_242 : vector<512x1024xf32> to vector<512x1024xbf16>
    %get3A_244 = arith.constant 0 : index
    %get3A_245 = arith.constant 0 : index
    %get3A_246 = vector.load %arg14[%get3A_244, %get3A_245] : memref<1024x256xbf16, #tpu.memory_space<vmem>>, vector<1024x256xbf16>
    %dot_general3A_247 = arith.constant dense<0.000000e+00> : vector<512x256xf32>
    %dot_general3A_248 = tpu.matmul %convert_element_type3A_243, %get3A_246, %dot_general3A_247 {dimension_numbers = #tpu.dot_dimension_numbers<[1], [0], [0], [1], [0, 0, 1, 1], [], []>, transpose_lhs_hint = false} : vector<512x1024xbf16>, vector<1024x256xbf16>, vector<512x256xf32> -> vector<512x256xf32>
    %get3A_249 = arith.constant 0 : index
    %get3A_250 = arith.constant 0 : index
    %get3A_251 = vector.load %arg15[%get3A_249, %get3A_250] : memref<1x256xf32, #tpu.memory_space<vmem>>, vector<1x256xf32>
    %add3A_252 = vector.broadcast %get3A_251 : vector<1x256xf32> to vector<512x256xf32>
    %add3A_253 = arith.addf %dot_general3A_248, %add3A_252 : vector<512x256xf32>
    %add3A_254 = arith.addf %add3A_228, %add3A_253 : vector<512x256xf32>
    %get3A_255 = arith.constant 0 : index
    %get3A_256 = arith.constant 0 : index
    %get3A_257 = vector.load %arg20[%get3A_255, %get3A_256] : memref<1x256xf32, #tpu.memory_space<vmem>>, vector<1x256xf32>
    %get3A_258 = arith.constant 0 : index
    %get3A_259 = arith.constant 0 : index
    %get3A_260 = vector.load %arg21[%get3A_258, %get3A_259] : memref<1x256xf32, #tpu.memory_space<vmem>>, vector<1x256xf32>
    %reduce_sum3A_261 = arith.constant dense<0.000000e+00> : vector<512xf32>
    %reduce_sum3A_262 = vector.multi_reduction <add>, %add3A_254, %reduce_sum3A_261 [1] : vector<512x256xf32> to vector<512xf32>
    %broadcast_in_dim3A_263 = vector.shape_cast %reduce_sum3A_262 : vector<512xf32> to vector<512x1xf32>
    %div3A_264 = arith.constant 2.560000e+02 : f32
    %div3A_265 = vector.broadcast %div3A_264 : f32 to vector<512x1xf32>
    %div3A_266 = arith.divf %broadcast_in_dim3A_263, %div3A_265 : vector<512x1xf32>
    %sub3A_267 = vector.broadcast %div3A_266 : vector<512x1xf32> to vector<512x256xf32>
    %sub3A_268 = arith.subf %add3A_254, %sub3A_267 : vector<512x256xf32>
    %mul3A_269 = arith.mulf %sub3A_268, %sub3A_268 : vector<512x256xf32>
    %reduce_sum3A_270 = arith.constant dense<0.000000e+00> : vector<512xf32>
    %reduce_sum3A_271 = vector.multi_reduction <add>, %mul3A_269, %reduce_sum3A_270 [1] : vector<512x256xf32> to vector<512xf32>
    %broadcast_in_dim3A_272 = vector.shape_cast %reduce_sum3A_271 : vector<512xf32> to vector<512x1xf32>
    %div3A_273 = arith.constant 2.560000e+02 : f32
    %div3A_274 = vector.broadcast %div3A_273 : f32 to vector<512x1xf32>
    %div3A_275 = arith.divf %broadcast_in_dim3A_272, %div3A_274 : vector<512x1xf32>
    %add3A_276 = arith.constant 9.99999974E-6 : f32
    %add3A_277 = vector.broadcast %add3A_276 : f32 to vector<512x1xf32>
    %add3A_278 = arith.addf %div3A_275, %add3A_277 : vector<512x1xf32>
    %rsqrt3A_279 = math.rsqrt %add3A_278 : vector<512x1xf32>
    %mul3A_280 = vector.broadcast %rsqrt3A_279 : vector<512x1xf32> to vector<512x256xf32>
    %mul3A_281 = arith.mulf %sub3A_268, %mul3A_280 : vector<512x256xf32>
    %mul3A_282 = vector.broadcast %get3A_257 : vector<1x256xf32> to vector<512x256xf32>
    %mul3A_283 = arith.mulf %mul3A_281, %mul3A_282 : vector<512x256xf32>
    %add3A_284 = vector.broadcast %get3A_260 : vector<1x256xf32> to vector<512x256xf32>
    %add3A_285 = arith.addf %mul3A_283, %add3A_284 : vector<512x256xf32>
    %slice3A_286 = vector.extract_strided_slice %get3A_4 {offsets = [0, 4], sizes = [512, 1], strides = [1, 1]} : vector<512x8xf32> to vector<512x1xf32>
    %slice3A_287 = vector.extract_strided_slice %get3A_4 {offsets = [0, 5], sizes = [512, 1], strides = [1, 1]} : vector<512x8xf32> to vector<512x1xf32>
    %gt3A = arith.constant 0.000000e+00 : f32
    %gt3A_288 = vector.broadcast %gt3A : f32 to vector<512x1xf32>
    %gt3A_289 = arith.cmpf ogt, %slice3A_286, %gt3A_288 : vector<512x1xf32>
    %broadcast_in_dim3A_290 = vector.shape_cast %gt3A_289 : vector<512x1xi1> to vector<512x1xi1>
    %broadcast_in_dim3A_291 = vector.broadcast %broadcast_in_dim3A_290 : vector<512x1xi1> to vector<512x256xi1>
    %select_n3A = arith.select %broadcast_in_dim3A_291, %add3A_285, %get3A_1 : vector<512x256xi1>, vector<512x256xf32>
    %convert_element_type3A_292 = arith.truncf %select_n3A : vector<512x256xf32> to vector<512x256xbf16>
    %get3A_293 = arith.constant 0 : index
    %get3A_294 = arith.constant 0 : index
    %get3A_295 = vector.load %arg16[%get3A_293, %get3A_294] : memref<256x256xbf16, #tpu.memory_space<vmem>>, vector<256x256xbf16>
    %dot_general3A_296 = arith.constant dense<0.000000e+00> : vector<512x256xf32>
    %dot_general3A_297 = tpu.matmul %convert_element_type3A_292, %get3A_295, %dot_general3A_296 {dimension_numbers = #tpu.dot_dimension_numbers<[1], [0], [0], [1], [0, 0, 1, 1], [], []>, transpose_lhs_hint = false} : vector<512x256xbf16>, vector<256x256xbf16>, vector<512x256xf32> -> vector<512x256xf32>
    %get3A_298 = arith.constant 0 : index
    %get3A_299 = arith.constant 0 : index
    %get3A_300 = vector.load %arg17[%get3A_298, %get3A_299] : memref<1x256xf32, #tpu.memory_space<vmem>>, vector<1x256xf32>
    %add3A_301 = vector.broadcast %get3A_300 : vector<1x256xf32> to vector<512x256xf32>
    %add3A_302 = arith.addf %dot_general3A_297, %add3A_301 : vector<512x256xf32>
    %swap3A = arith.constant 0 : index
    %swap3A_303 = arith.constant 0 : index
    %swap3A_304 = vector.load %arg24[%swap3A, %swap3A_303] : memref<512x1280xf32, #tpu.memory_space<vmem>>, vector<512x256xf32>
    tpu.vector_store %arg24[%swap3A, %swap3A_303], %select_n3A {strides = array<i32>} : memref<512x1280xf32, #tpu.memory_space<vmem>>, vector<512x256xf32>,
    %gt3A_305 = arith.constant 0.000000e+00 : f32
    %gt3A_306 = vector.broadcast %gt3A_305 : f32 to vector<512x1xf32>
    %gt3A_307 = arith.cmpf ogt, %slice3A_287, %gt3A_306 : vector<512x1xf32>
    %broadcast_in_dim3A_308 = vector.shape_cast %gt3A_307 : vector<512x1xi1> to vector<512x1xi1>
    %broadcast_in_dim3A_309 = vector.broadcast %broadcast_in_dim3A_308 : vector<512x1xi1> to vector<512x256xi1>
    %select_n3A_310 = arith.select %broadcast_in_dim3A_309, %get3A_18, %get3A_15 : vector<512x256xi1>, vector<512x256xf32>
    %swap3A_311 = arith.constant 0 : index
    %swap3A_312 = arith.constant 256 : index
    %swap3A_313 = vector.load %arg24[%swap3A_311, %swap3A_312] : memref<512x1280xf32, #tpu.memory_space<vmem>>, vector<512x256xf32>
    tpu.vector_store %arg24[%swap3A_311, %swap3A_312], %select_n3A_310 {strides = array<i32>} : memref<512x1280xf32, #tpu.memory_space<vmem>>, vector<512x256xf32>,
    %gt3A_314 = arith.constant 0.000000e+00 : f32
    %gt3A_315 = vector.broadcast %gt3A_314 : f32 to vector<512x1xf32>
    %gt3A_316 = arith.cmpf ogt, %slice3A_287, %gt3A_315 : vector<512x1xf32>
    %broadcast_in_dim3A_317 = vector.shape_cast %gt3A_316 : vector<512x1xi1> to vector<512x1xi1>
    %broadcast_in_dim3A_318 = vector.broadcast %broadcast_in_dim3A_317 : vector<512x1xi1> to vector<512x256xi1>
    %select_n3A_319 = arith.select %broadcast_in_dim3A_318, %get3A_21, %get3A_18 : vector<512x256xi1>, vector<512x256xf32>
    %swap3A_320 = arith.constant 0 : index
    %swap3A_321 = arith.constant 512 : index
    %swap3A_322 = vector.load %arg24[%swap3A_320, %swap3A_321] : memref<512x1280xf32, #tpu.memory_space<vmem>>, vector<512x256xf32>
    tpu.vector_store %arg24[%swap3A_320, %swap3A_321], %select_n3A_319 {strides = array<i32>} : memref<512x1280xf32, #tpu.memory_space<vmem>>, vector<512x256xf32>,
    %gt3A_323 = arith.constant 0.000000e+00 : f32
    %gt3A_324 = vector.broadcast %gt3A_323 : f32 to vector<512x1xf32>
    %gt3A_325 = arith.cmpf ogt, %slice3A_287, %gt3A_324 : vector<512x1xf32>
    %broadcast_in_dim3A_326 = vector.shape_cast %gt3A_325 : vector<512x1xi1> to vector<512x1xi1>
    %broadcast_in_dim3A_327 = vector.broadcast %broadcast_in_dim3A_326 : vector<512x1xi1> to vector<512x256xi1>
    %select_n3A_328 = arith.select %broadcast_in_dim3A_327, %get3A_24, %get3A_21 : vector<512x256xi1>, vector<512x256xf32>
    %swap3A_329 = arith.constant 0 : index
    %swap3A_330 = arith.constant 768 : index
    %swap3A_331 = vector.load %arg24[%swap3A_329, %swap3A_330] : memref<512x1280xf32, #tpu.memory_space<vmem>>, vector<512x256xf32>
    tpu.vector_store %arg24[%swap3A_329, %swap3A_330], %select_n3A_328 {strides = array<i32>} : memref<512x1280xf32, #tpu.memory_space<vmem>>, vector<512x256xf32>,
    %gt3A_332 = arith.constant 0.000000e+00 : f32
    %gt3A_333 = vector.broadcast %gt3A_332 : f32 to vector<512x1xf32>
    %gt3A_334 = arith.cmpf ogt, %slice3A_287, %gt3A_333 : vector<512x1xf32>
    %broadcast_in_dim3A_335 = vector.shape_cast %gt3A_334 : vector<512x1xi1> to vector<512x1xi1>
    %broadcast_in_dim3A_336 = vector.broadcast %broadcast_in_dim3A_335 : vector<512x1xi1> to vector<512x256xi1>
    %select_n3A_337 = arith.select %broadcast_in_dim3A_336, %add3A_302, %get3A_24 : vector<512x256xi1>, vector<512x256xf32>
    %swap3A_338 = arith.constant 0 : index
    %swap3A_339 = arith.constant 1024 : index
    %swap3A_340 = vector.load %arg24[%swap3A_338, %swap3A_339] : memref<512x1280xf32, #tpu.memory_space<vmem>>, vector<512x256xf32>
    tpu.vector_store %arg24[%swap3A_338, %swap3A_339], %select_n3A_337 {strides = array<i32>} : memref<512x1280xf32, #tpu.memory_space<vmem>>, vector<512x256xf32>,
    return
  }
  func.func @transform_0(%arg0: i32) -> (i32, i32) {
    %c0_i32 = arith.constant 0 : i32
    %c0_i32_0 = arith.constant 0 : i32
    return %arg0, %c0_i32 : i32, i32
  }
  func.func @transform_1(%arg0: i32) -> (i32, i32) {
    %c0_i32 = arith.constant 0 : i32
    %c0_i32_0 = arith.constant 0 : i32
    return %arg0, %c0_i32 : i32, i32
  }
  func.func @transform_2(%arg0: i32) -> (i32, i32) {
    %c0_i32 = arith.constant 0 : i32
    %c0_i32_0 = arith.constant 0 : i32
    return %arg0, %c0_i32 : i32, i32
  }
  func.func @transform_3(%arg0: i32) -> (i32, i32) {
    %c0_i32 = arith.constant 0 : i32
    %c0_i32_0 = arith.constant 0 : i32
    %c0_i32_1 = arith.constant 0 : i32
    return %c0_i32, %c0_i32_0 : i32, i32
  }
  func.func @transform_4(%arg0: i32) -> (i32, i32) {
    %c0_i32 = arith.constant 0 : i32
    %c0_i32_0 = arith.constant 0 : i32
    %c0_i32_1 = arith.constant 0 : i32
    return %c0_i32, %c0_i32_0 : i32, i32
  }
  func.func @transform_5(%arg0: i32) -> (i32, i32) {
    %c0_i32 = arith.constant 0 : i32
    %c0_i32_0 = arith.constant 0 : i32
    %c0_i32_1 = arith.constant 0 : i32
    return %c0_i32, %c0_i32_0 : i32, i32
  }
  func.func @transform_6(%arg0: i32) -> (i32, i32) {
    %c0_i32 = arith.constant 0 : i32
    %c0_i32_0 = arith.constant 0 : i32
    %c0_i32_1 = arith.constant 0 : i32
    return %c0_i32, %c0_i32_0 : i32, i32
  }
  func.func @transform_7(%arg0: i32) -> (i32, i32) {
    %c0_i32 = arith.constant 0 : i32
    %c0_i32_0 = arith.constant 0 : i32
    %c0_i32_1 = arith.constant 0 : i32
    return %c0_i32, %c0_i32_0 : i32, i32
  }
  func.func @transform_8(%arg0: i32) -> (i32, i32) {
    %c0_i32 = arith.constant 0 : i32
    %c0_i32_0 = arith.constant 0 : i32
    %c0_i32_1 = arith.constant 0 : i32
    return %c0_i32, %c0_i32_0 : i32, i32
  }
  func.func @transform_9(%arg0: i32) -> (i32, i32) {
    %c0_i32 = arith.constant 0 : i32
    %c0_i32_0 = arith.constant 0 : i32
    %c0_i32_1 = arith.constant 0 : i32
    return %c0_i32, %c0_i32_0 : i32, i32
  }
  func.func @transform_10(%arg0: i32) -> (i32, i32) {
    %c0_i32 = arith.constant 0 : i32
    %c0_i32_0 = arith.constant 0 : i32
    %c0_i32_1 = arith.constant 0 : i32
    return %c0_i32, %c0_i32_0 : i32, i32
  }
  func.func @transform_11(%arg0: i32) -> (i32, i32) {
    %c0_i32 = arith.constant 0 : i32
    %c0_i32_0 = arith.constant 0 : i32
    %c0_i32_1 = arith.constant 0 : i32
    return %c0_i32, %c0_i32_0 : i32, i32
  }
  func.func @transform_12(%arg0: i32) -> (i32, i32) {
    %c0_i32 = arith.constant 0 : i32
    %c0_i32_0 = arith.constant 0 : i32
    %c0_i32_1 = arith.constant 0 : i32
    return %c0_i32, %c0_i32_0 : i32, i32
  }
  func.func @transform_13(%arg0: i32) -> (i32, i32) {
    %c0_i32 = arith.constant 0 : i32
    %c0_i32_0 = arith.constant 0 : i32
    %c0_i32_1 = arith.constant 0 : i32
    return %c0_i32, %c0_i32_0 : i32, i32
  }
  func.func @transform_14(%arg0: i32) -> (i32, i32) {
    %c0_i32 = arith.constant 0 : i32
    %c0_i32_0 = arith.constant 0 : i32
    %c0_i32_1 = arith.constant 0 : i32
    return %c0_i32, %c0_i32_0 : i32, i32
  }
  func.func @transform_15(%arg0: i32) -> (i32, i32) {
    %c0_i32 = arith.constant 0 : i32
    %c0_i32_0 = arith.constant 0 : i32
    %c0_i32_1 = arith.constant 0 : i32
    return %c0_i32, %c0_i32_0 : i32, i32
  }
  func.func @transform_16(%arg0: i32) -> (i32, i32) {
    %c0_i32 = arith.constant 0 : i32
    %c0_i32_0 = arith.constant 0 : i32
    %c0_i32_1 = arith.constant 0 : i32
    return %c0_i32, %c0_i32_0 : i32, i32
  }
  func.func @transform_17(%arg0: i32) -> (i32, i32) {
    %c0_i32 = arith.constant 0 : i32
    %c0_i32_0 = arith.constant 0 : i32
    %c0_i32_1 = arith.constant 0 : i32
    return %c0_i32, %c0_i32_0 : i32, i32
  }
  func.func @transform_18(%arg0: i32) -> (i32, i32) {
    %c0_i32 = arith.constant 0 : i32
    %c0_i32_0 = arith.constant 0 : i32
    %c0_i32_1 = arith.constant 0 : i32
    return %c0_i32, %c0_i32_0 : i32, i32
  }
  func.func @transform_19(%arg0: i32) -> (i32, i32) {
    %c0_i32 = arith.constant 0 : i32
    %c0_i32_0 = arith.constant 0 : i32
    %c0_i32_1 = arith.constant 0 : i32
    return %c0_i32, %c0_i32_0 : i32, i32
  }
  func.func @transform_20(%arg0: i32) -> (i32, i32) {
    %c0_i32 = arith.constant 0 : i32
    %c0_i32_0 = arith.constant 0 : i32
    %c0_i32_1 = arith.constant 0 : i32
    return %c0_i32, %c0_i32_0 : i32, i32
  }
  func.func @transform_21(%arg0: i32) -> (i32, i32) {
    %c0_i32 = arith.constant 0 : i32
    %c0_i32_0 = arith.constant 0 : i32
    %c0_i32_1 = arith.constant 0 : i32
    return %c0_i32, %c0_i32_0 : i32, i32
  }
  func.func @transform_22(%arg0: i32) -> (i32, i32) {
    %c0_i32 = arith.constant 0 : i32
    %c0_i32_0 = arith.constant 0 : i32
    %c0_i32_1 = arith.constant 0 : i32
    return %c0_i32, %c0_i32_0 : i32, i32
  }
  func.func @transform_23(%arg0: i32) -> (i32, i32) {
    %c0_i32 = arith.constant 0 : i32
    %c0_i32_0 = arith.constant 0 : i32
    return %arg0, %c0_i32 : i32, i32
  }
}

</mosaic_0001>

<sc_bundles>
// kernel: sparse-core-data-format-call.1.cloned.1.call-start
scs
called_computation.1_lowered:
.L_overlay_start_0:
0x0: {  	s2 =	sld [smem:$0x3FD9]  }
0x1: {  	s3 =	sld [smem:$0x3FFE];
	_ =	sdelay $0x1  }
0x2: {  	s1 =	srdreg.scid  }
0x3: {  	s0 =	sand.u32 $0x1, s1  }
0x4: {  	s18 =	sshll.u32 s0, $0xA;
	s2 =	sadd.s32 s3, s2  }
0x5: {  	s2 =	sadd.s32 s2, s18  }
0x6: {  	[smem:$0x3FB5] =	sst s2  }
0x7: {  	_ = 	snop  }
0x8: {  	s2 =	sld [smem:$0x3FC5];
	(tm) =	ssettm $0x1  }
0x9: {  	s19 =	sld [smem:$0x3FFB];
	_ =	sdelay $0x3  }
0xa: {  	_ =	strace s19  }
0xb: {  	s3 =	sld [smem:$0x3FFC];
	_ =	sdelay $0x3  }
0xc: {  	_ =	strace s3  }
0xd: {  	s3 =	sld [smem:$0x3FFD];
	_ =	sdelay $0x3  }
0xe: {  	_ =	strace s3  }
0xf: {  	_ =	strace $0x8FFFFFFF  }
0x10: {  	s20 =	sld [smem:$0x3FDB];
	_ =	sdelay $0x1  }
0x11: {  	s4 =	simm.s32 $_scs_section_size  }
0x12: {  	s5 =	simm.s32 $_size__tile_overlayer_lowered;
	s6 =	simm.s32 $_tile_overlayer_lowered  }
0x13: {  	s23 =	simm.s32 $0x1BFF;
	s22 =	sshll.u32 s6, $0x1;
	s3 =	sadd.s32 s4, s20  }
0x14: {  	s7 =	simm.s32 $0x0;
	s21 =	sshll.u32 s5, $0x1;
	s5 =	sadd.s32 s22, s3  }
0x15: {  	[timem:s7], [sflag:s23] =	dma.local [hbm:s5], s21  }
0x16: {  	_ =	swait.ge [sflag:s23], s21  }
0x17: {  	s4 =	ssub.s32 $0x0, s21;
	[sflag:s23] =	ssyncset.done $0x0  }
0x18: {  	[sflag:s23] =	ssyncadd.s32 s4;
	_ =	sdelay $0x1  }
0x19: {  	s24 =	simm.s32 $0x1B8B  }
0x1a: {  	_ =	swait.ge [sflag:s24], $0x1  }
0x1b: {  	[sflag:s24] =	ssyncset.done $0x0  }
0x1c: {  	s26 =	simm.s32 $0x1B8E;
	s25 =	sld [smem:$0x3FFE];
	[sflag:s24] =	ssyncadd.s32 $0xFFFFFFFF  }
0x1d: {  	s27 =	simm.s32 $execute0_lowered;
	[smem:$0x3FD2] =	sst s26  }
0x1e: {  	s5 =	sshll.u32 s27, $0x1;
	_ =	strace $0x80000046;
	[dreg:$0x1] =	wrdreg $0xFFFFFFFF  }
0x1f: {  	s28 =	simm.s32 $_size_execute0_lowered;
	s3 =	sadd.s32 s3, s5;
	[dreg:$0x0] =	wrdreg $0x0  }
0x20: {  	s5 =	sshll.u32 s28, $0x1;
	[dreg:$0x2] =	wrdreg s3  }
0x21: {  	[dreg:$0x3] =	wrdreg s5  }
0x22: {  	[dreg:$0x4] =	wrdreg $0xC0  }
0x23: {  	_ =	task [dreg:s7], $0x5FFFF  }
0x24: {  	[dreg:$0x1] =	wrdreg $0xFFFFFFFF  }
0x25: {  	[dreg:$0x0] =	wrdreg $0x60  }
0x26: {  	[dreg:$0x2] =	wrdreg s2  }
0x27: {  	[dreg:$0x3] =	wrdreg s25  }
0x28: {  	[dreg:$0x4] =	wrdreg $0x9  }
0x29: {  	_ =	task.clear_ibuf [dreg:s7], $0x5FFFF;
	_ =	strace $0x90000046  }
0x2a: {  	s29 =	simm.s32 $0x9;
	_ =	strace $0x80000048  }
0x2b: {  	_ =	swait.ge [sflag:s29], $0x1  }
0x2c: {  	[sflag:s29] =	ssyncadd.s32 $0xFFFFFFFF  }
0x2d: {  	_ =	strace $0x90000048  }
0x2e: {  	_ =	sfence  }
0x2f: {  	s30 =	sld [smem:$0x0];
	_ =	sdelay $0x2  }
0x30: {  	s31 =	sshll.u32 s1, $0xD;
	s1 =	sshrl.u32 s1, $0x2  }
0x31: {  	s3 =	sand.u32 $0x4000, s31;
	s1 =	sadd.s32 s1, s30  }
0x32: {  	s0 =	sor.u32 s3, s0;
	s1 =	sshll.u32 s1, $0x11  }
0x33: {  	s0 =	sor.u32 s1, s0  }
0x34: {  	s0 =	sadd.s32 $0x8F2B, s0  }
0x35: {  	[sflag:s0] =	ssyncadd.remote.s32 $0x1  }
0x36: {  	_ =	sfence.sel $0xFFFF  }
0x37: {  	[dreg:$0x0] =	wrdreg $0xFFFFFFFF;
	(pc) =	sbr.abs _section_cstart, $3  }
0x38: {  	[dreg:$0x1] =	wrdreg $0xFFFFFFFF  }
0x39: {  	_ =	task.clear_ibuf [dreg:s7], $0x2FFFF;
	_ =	strace $0x9FFFFFFF  }
0x3a: {  	(tm) =	ssettm $0x7FFFFFFF  }
0x3b: {  	_ =	shalt  }
tec
execute0_lowered:
.L_overlay_start_1:
0x0: {  	(tag) =	ssettag $0x1  }
0x1: {  	s0 =	srdreg.scid  }
0x2: {  	s1 =	sshll.u32 s0, $0x4  }
0x3: {  	s2 =	rddreg [dreg:$0x0];
	s0 =	stileid.u32;
	s1 =	sand.u32 $0x10, s1  }
0x4: {  	s4 =	rddreg [dreg:$0x1];
	s7 =	simm.s32 $0x1;
	s1 =	sor.u32 s0, s1  }
0x5: {  	s8 =	simm.s32 $0x2;
	s9 =	simm.s32 $0x0;
	s3 =	sshll.u32 s1, $0x1  }
0x6: {  	s12 =	simm.s32 $0x0;
	s11 =	simm.s32 $0x0;
	s6 =	ssub.s32 $0x1000, s3  }
.Ltmp0:
0x7: {  	s4 =	sadd.s32 $0x2E00, s4;
	s5 =	sand.u32 $0x3E, s6;
	(pc) =	sbr.rel .LBB1_1-.Ltmp0, $4  }
0x8: {  	s1 =	rddreg [dreg:$0x2];
	_ =	strace $0x80000047;
	p0 =	sne.s32 s5, $0x0  }
0x9: {  	s6 =	sshrl.u32 s6, $0x6;
	s5 =	simm.s32 $0x1;
	s7 =	simm.s32 @!p0 $0x0  }
0xa: {  	s10 =	smov.u32 s3;
	[sflag:s5] =	ssyncpa.u1 $0x0;
	s6 =	sadd.s32 s7, s6  }
0xb: {  	[sflag:s8] =	ssyncpa.u1 $0x0;
	s8 =	simm.s32 $0x0;
	s7 =	sadd.s32 $0x1, s6  }
.LBB1_9:
0xc: {  	s14 =	sadd.s32 $0x40, s10  }
0xd: {  	p1 =	sgt.s32 s14, $0xFFF  }
0xe: {  	s14 =	smov.u32 @p1 s3;
	p1 =	sne.s32 s11, s7  }
.Ltmp1:
0xf: {  	p0 =	slt.u32 s11, $0x2;
	(pc) =	sbr.rel @!p1 .LBB1_10-.Ltmp1, $4  }
0x10: {  	s13 =	simm.s32 @!p0 $0x2  }
0x11: {  	s15 =	sadd.s32 $0x1, s11;
	_ =	swait.ge @!p0 [sflag:s13], $0x4000  }
0x12: {  	s12 =	smov.u32 s10;
	s9 =	sadd.s32 $0x4000, s9;
	[sflag:s13] =	ssyncset.done @!p0 $0x0  }
0x13: {  	s11 =	smov.u32 s15;
	s10 =	smov.u32 s14;
	[sflag:s13] =	ssyncadd.s32 @!p0 $0xFFFFC000  }
.LBB1_1:
0x14: {  	p0 =	sge.u32 s11, s6  }
0x15: {  	s13 =	sxor.u32 @!p0 $0xFFFFFFFF, s11  }
0x16: {  	s31 =	sadd.s32 $0xFFFFFFFF, s11;
	s14 =	sshll.u32 @!p0 s10, $0xA;
	s13 =	sshll.u32 @!p0 s13, $0xE  }
0x17: {  	s15 =	simm.s32 @!p0 $0x0;
	s14 =	sadd.s32 @!p0 s2, s14;
	s13 =	sand.u32 @!p0 $0x4000, s13  }
0x18: {  	[tilespmem:s13], [sflag:$0x1] =	stream.linear.gather @!p0 [hbm4b:s14+s15], $0x4000, $0x38;
	[tilespmem:$0x10000] =	vst v63  }
0x19: {  	p0 =	sge.u32 s31, s6  }
.Ltmp2:
0x1a: {  	_ = 	snop;
	(pc) =	sbr.rel @p0 .LBB1_9-.Ltmp2, $1  }
0x1b: {  	_ =	sdelay $0x3  }
0x1c: {  	s13 =	sshll.u32 s9, $0x2  }
0x1d: {  	_ =	swait.ge [sflag:s5], $0x4000;
	s14 =	sshll.u32 s11, $0xE;
	s18 =	simm.s32 $0x0  }
0x1e: {  	p1 =	por $0x1, $0x1;
	s13 =	sand.u32 $0x10000, s13;
	[sflag:s5] =	ssyncset.done $0x0  }
0x1f: {  	s15 =	sand.u32 $0x4000, s14;
	s13 =	sshrl.u32 s13, $0x2;
	[sflag:s5] =	ssyncadd.s32 $0xFFFFC000  }
0x20: {  	s14 =	sor.u32 $0x8000, s15;
	s16 =	sor.u32 $0x8000, s13;
	s17 =	sadd.s32 $0x8400, s13  }
.LBB1_3:
0x21: {  	s19 =	sshll.u32 s18, $0x2  }
0x22: {  	s19 =	sshrl.u32 s19, $0x2  }
0x23: {  	v0 =	vmov s19;
	_ =	sdelay $0x2  }
0x24: {  	p0 =	por p1, p1;
	p1 =	por $0x0, $0x0;
	s20 =	simm.s32 $0x0  }
0x25: {  	s21 =	smov.u32 s13;
	s22 =	simm.s32 $0x0;
	s19 =	smov.u32 s16  }
.LBB1_4:
0x26: {  	_ =	sdelay $0x3  }
0x27: {  	v2 =	vld.idx.msk [tilespmem:v0+s21+$0x10 ss:$0x1], $0xffff  }
0x28: {  	v3 =	vld.idx.msk [tilespmem:v0+s21+$0x270 ss:$0x1], $0xffff  }
0x29: {  	s23 =	sshll.u32 s22, $0xA;
	v5 =	vld.idx.msk [tilespmem:v0+s21+$0x20 ss:$0x1], $0xffff  }
0x2a: {  	v8 =	vld.idx.msk [tilespmem:v0+s21+$0x30 ss:$0x1], $0xffff;
	s23 =	sadd.s32 s18, s23  }
0x2b: {  	v9 =	vld.idx.msk [tilespmem:v0+s21+$0x40 ss:$0x1], $0xffff;
	v1 =	vmov s23  }
0x2c: {  	s30 =	simm.s32 $0x0;
	v10 =	vld.idx.msk [tilespmem:v0+s21+$0x50 ss:$0x1], $0xffff  }
0x2d: {  	v11 =	vld.idx.msk [tilespmem:v0+s21+$0x60 ss:$0x1], $0xffff;
	s24 =	sand.u32 $0x100, s30  }
0x2e: {  	v12 =	vld.idx.msk [tilespmem:v0+s21+$0x70 ss:$0x1], $0xffff;
	s23 =	sand.u32 $0x80, s30;
	s24 =	sadd.s32 s24, s15;
	[tilespmem:v0+s19+$0x470 ss:$0x1] =	vst.idx.msk $0xffff, v3  }
0x2f: {  	v7 =	vld.idx.msk [tilespmem:v0+s21+$0x210 ss:$0x1], $0xffff;
	s23 =	sadd.s32 s23, s24;
	s24 =	simm.s32 $0x1;
	[tilespmem:v0+s19+$0x10 ss:$0x1] =	vst.idx.msk $0xffff, v2  }
0x30: {  	s31 =	sshll.u32 s20, $0x2;
	s24 =	simm.s32 @!p1 $0x0;
	[tilespmem:v0+s19+$0x20 ss:$0x1] =	vst.idx.msk $0xffff, v5;
	v4 =	vld.idx.msk [tilespmem:v1+s23+$0x200 ss:$0x1], $0xffff  }
0x31: {  	v6 =	vld.idx.msk [tilespmem:v0+s21+$0x220 ss:$0x1], $0xffff;
	s24 =	sshll.u32 s24, $0x9;
	[tilespmem:v0+s19+$0x30 ss:$0x1] =	vst.idx.msk $0xffff, v8;
	s23 =	sand.u32 $0xFFFFFC00, s31  }
0x32: {  	v3 =	vld.idx.msk [tilespmem:v0+s21+$0x230 ss:$0x1], $0xffff;
	[tilespmem:v0+s19+$0x40 ss:$0x1] =	vst.idx.msk $0xffff, v9;
	s23 =	sor.u32 s24, s23  }
0x33: {  	[tilespmem:v0+s19+$0x50 ss:$0x1] =	vst.idx.msk $0xffff, v10;
	v5 =	vld.idx.msk [tilespmem:v0+s21+$0x250 ss:$0x1], $0xffff;
	s23 =	sshrl.u32 s23, $0x2  }
0x34: {  	[tilespmem:v0+s19+$0x60 ss:$0x1] =	vst.idx.msk $0xffff, v11;
	v2 =	vld.idx.msk [tilespmem:v0+s21+$0x260 ss:$0x1], $0xffff;
	s23 =	sadd.s32 s23, s17  }
0x35: {  	s27 =	simm.s32 $0x80;
	s26 =	simm.s32 $0x100;
	[tilespmem:v0+s23+$0x0 ss:$0x1] =	vst.idx.msk $0xffff, v4;
	v4 =	vld.idx.msk [tilespmem:v0+s21+$0x240 ss:$0x1], $0xffff  }
0x36: {  	s25 =	smov.u32 s19;
	s28 =	sand.u32 $0x100, s27;
	v8 =	vld.idx.msk [tilespmem:v0+s21+$0x0 ss:$0x1], $0xffff;
	[tilespmem:v0+s19+$0x70 ss:$0x1] =	vst.idx.msk $0xffff, v12;
	s24 =	sadd.s32 $0x80, s21  }
.LBB1_5:
0x37: {  	p2 =	sne.s32 s26, $0x180;
	v9 =	vld.idx.msk [tilespmem:v0+s24+$0x10 ss:$0x1], $0xffff;
	s27 =	sand.u32 $0x80, s27;
	s28 =	sadd.s32 s28, s15;
	[tilespmem:v0+s25+$0x410 ss:$0x1] =	vst.idx.msk $0xffff, v7  }
0x38: {  	s28 =	sadd.s32 s27, s28;
	v7 =	vld.idx.msk [tilespmem:v0+s24+$0x270 ss:$0x1], $0xffff;
	[tilespmem:v0+s25+$0x420 ss:$0x1] =	vst.idx.msk $0xffff, v6;
	s27 =	smov.u32 s26  }
0x39: {  	v6 =	vld.idx.msk [tilespmem:v1+s28+$0x200 ss:$0x1], $0xffff;
	[tilespmem:v0+s25+$0x430 ss:$0x1] =	vst.idx.msk $0xffff, v3  }
0x3a: {  	v3 =	vld.idx.msk [tilespmem:v0+s24+$0x20 ss:$0x1], $0xffff;
	[tilespmem:v0+s25+$0x440 ss:$0x1] =	vst.idx.msk $0xffff, v4  }
0x3b: {  	v4 =	vld.idx.msk [tilespmem:v0+s24+$0x30 ss:$0x1], $0xffff;
	[tilespmem:v0+s25+$0x450 ss:$0x1] =	vst.idx.msk $0xffff, v5  }
0x3c: {  	v5 =	vld.idx.msk [tilespmem:v0+s24+$0x40 ss:$0x1], $0xffff;
	[tilespmem:v0+s25+$0x0 ss:$0x1] =	vst.idx.msk $0xffff, v8  }
0x3d: {  	v8 =	vld.idx.msk [tilespmem:v0+s24+$0x50 ss:$0x1], $0xffff;
	[tilespmem:v0+s25+$0x460 ss:$0x1] =	vst.idx.msk $0xffff, v2;
	s25 =	sadd.s32 $0x800, s25  }
0x3e: {  	s23 =	sadd.s32 $0x800, s23;
	v2 =	vld.idx.msk [tilespmem:v0+s24+$0x60 ss:$0x1], $0xffff;
	[tilespmem:v0+s25+$0x470 ss:$0x1] =	vst.idx.msk $0xffff, v7  }
0x3f: {  	v10 =	vld.idx.msk [tilespmem:v0+s24+$0x70 ss:$0x1], $0xffff;
	[tilespmem:v0+s23+$0x0 ss:$0x1] =	vst.idx.msk $0xffff, v6  }
0x40: {  	[tilespmem:v0+s25+$0x10 ss:$0x1] =	vst.idx.msk $0xffff, v9;
	v7 =	vld.idx.msk [tilespmem:v0+s24+$0x210 ss:$0x1], $0xffff  }
0x41: {  	[tilespmem:v0+s25+$0x20 ss:$0x1] =	vst.idx.msk $0xffff, v3;
	v6 =	vld.idx.msk [tilespmem:v0+s24+$0x220 ss:$0x1], $0xffff  }
.Ltmp3:
0x42: {  	[tilespmem:v0+s25+$0x30 ss:$0x1] =	vst.idx.msk $0xffff, v4;
	v3 =	vld.idx.msk [tilespmem:v0+s24+$0x230 ss:$0x1], $0xffff;
	(pc) =	sbr.rel @p2 .LBB1_5-.Ltmp3, $4  }
0x43: {  	[tilespmem:v0+s25+$0x40 ss:$0x1] =	vst.idx.msk $0xffff, v5;
	v4 =	vld.idx.msk [tilespmem:v0+s24+$0x240 ss:$0x1], $0xffff  }
0x44: {  	[tilespmem:v0+s25+$0x50 ss:$0x1] =	vst.idx.msk $0xffff, v8;
	v5 =	vld.idx.msk [tilespmem:v0+s24+$0x250 ss:$0x1], $0xffff  }
0x45: {  	[tilespmem:v0+s25+$0x60 ss:$0x1] =	vst.idx.msk $0xffff, v2;
	v2 =	vld.idx.msk [tilespmem:v0+s24+$0x260 ss:$0x1], $0xffff  }
0x46: {  	s26 =	sadd.s32 $0x80, s26;
	s28 =	sand.u32 $0x100, s27;
	v8 =	vld.idx.msk [tilespmem:v0+s24+$0x0 ss:$0x1], $0xffff;
	[tilespmem:v0+s25+$0x70 ss:$0x1] =	vst.idx.msk $0xffff, v10;
	s24 =	sadd.s32 $0x80, s24  }
0x47: {  	_ =	sdelay $0x3  }
0x48: {  	[tilespmem:v0+s25+$0x410 ss:$0x1] =	vst.idx.msk $0xffff, v7  }
0x49: {  	[tilespmem:v0+s25+$0x420 ss:$0x1] =	vst.idx.msk $0xffff, v6  }
0x4a: {  	v56 =	vld.idx.msk [tilespmem:v0+s24+$0x270 ss:$0x1], $0xffff;
	[tilespmem:v0+s25+$0x430 ss:$0x1] =	vst.idx.msk $0xffff, v3  }
0x4b: {  	v3 =	vld.idx.msk [tilespmem:v0+s24+$0x10 ss:$0x1], $0xffff;
	[tilespmem:v0+s25+$0x440 ss:$0x1] =	vst.idx.msk $0xffff, v4  }
0x4c: {  	v57 =	vld.idx.msk [tilespmem:v0+s24+$0x20 ss:$0x1], $0xffff;
	[tilespmem:v0+s25+$0x450 ss:$0x1] =	vst.idx.msk $0xffff, v5  }
0x4d: {  	s26 =	sand.u32 $0x80, s27;
	s30 =	sadd.s32 s28, s15;
	v58 =	vld.idx.msk [tilespmem:v0+s24+$0x30 ss:$0x1], $0xffff;
	[tilespmem:v0+s25+$0x460 ss:$0x1] =	vst.idx.msk $0xffff, v2  }
0x4e: {  	s31 =	sadd.s32 $0x800, s25;
	v59 =	vld.idx.msk [tilespmem:v0+s24+$0x50 ss:$0x1], $0xffff;
	s26 =	sadd.s32 s26, s30;
	[tilespmem:v0+s25+$0x0 ss:$0x1] =	vst.idx.msk $0xffff, v8  }
0x4f: {  	v1 =	vld.idx.msk [tilespmem:v1+s26+$0x200 ss:$0x1], $0xffff;
	[tilespmem:v0+s31+$0x470 ss:$0x1] =	vst.idx.msk $0xffff, v56  }
0x50: {  	v60 =	vld.idx.msk [tilespmem:v0+s24+$0x210 ss:$0x1], $0xffff;
	[tilespmem:v0+s31+$0x10 ss:$0x1] =	vst.idx.msk $0xffff, v3  }
0x51: {  	v61 =	vld.idx.msk [tilespmem:v0+s24+$0x220 ss:$0x1], $0xffff;
	[tilespmem:v0+s31+$0x20 ss:$0x1] =	vst.idx.msk $0xffff, v57  }
0x52: {  	v2 =	vld.idx.msk [tilespmem:v0+s24+$0x40 ss:$0x1], $0xffff;
	[tilespmem:v0+s31+$0x30 ss:$0x1] =	vst.idx.msk $0xffff, v58  }
0x53: {  	s23 =	sadd.s32 $0x800, s23;
	v3 =	vld.idx.msk [tilespmem:v0+s24+$0x70 ss:$0x1], $0xffff;
	[tilespmem:v0+s31+$0x50 ss:$0x1] =	vst.idx.msk $0xffff, v59  }
0x54: {  	[tilespmem:v0+s23+$0x0 ss:$0x1] =	vst.idx.msk $0xffff, v1;
	v1 =	vld.idx.msk [tilespmem:v0+s24+$0x60 ss:$0x1], $0xffff  }
0x55: {  	v62 =	vld.idx.msk [tilespmem:v0+s24+$0x240 ss:$0x1], $0xffff;
	[tilespmem:v0+s31+$0x410 ss:$0x1] =	vst.idx.msk $0xffff, v60  }
0x56: {  	v63 =	vld.idx.msk [tilespmem:v0+s24+$0x260 ss:$0x1], $0xffff;
	[tilespmem:v0+s31+$0x420 ss:$0x1] =	vst.idx.msk $0xffff, v61  }
0x57: {  	[tilespmem:v0+s31+$0x40 ss:$0x1] =	vst.idx.msk $0xffff, v2;
	v2 =	vld.idx.msk [tilespmem:v0+s24+$0x230 ss:$0x1], $0xffff  }
0x58: {  	s22 =	sadd.s32 $0x1, s22;
	[tilespmem:v0+s31+$0x70 ss:$0x1] =	vst.idx.msk $0xffff, v3;
	v3 =	vld.idx.msk [tilespmem:v0+s24+$0x0 ss:$0x1], $0xffff  }
0x59: {  	p2 =	sne.s32 s22, $0x8;
	[tilespmem:v0+s31+$0x60 ss:$0x1] =	vst.idx.msk $0xffff, v1;
	v1 =	vld.idx.msk [tilespmem:v0+s24+$0x250 ss:$0x1], $0xffff  }
.Ltmp4:
0x5a: {  	[tilespmem:v0+s31+$0x440 ss:$0x1] =	vst.idx.msk $0xffff, v62;
	(pc) =	sbr.rel @p2 .LBB1_4-.Ltmp4, $4  }
0x5b: {  	[tilespmem:v0+s31+$0x460 ss:$0x1] =	vst.idx.msk $0xffff, v63  }
0x5c: {  	[tilespmem:v0+s31+$0x430 ss:$0x1] =	vst.idx.msk $0xffff, v2  }
0x5d: {  	s21 =	sadd.s32 $0x400, s21;
	[tilespmem:v0+s31+$0x0 ss:$0x1] =	vst.idx.msk $0xffff, v3  }
0x5e: {  	s20 =	sadd.s32 $0x80, s20;
	p1 =	por !p1, !p1;
	s19 =	sadd.s32 $0x80, s19;
	[tilespmem:v0+s31+$0x450 ss:$0x1] =	vst.idx.msk $0xffff, v1  }
.Ltmp5:
0x5f: {  	(pc) =	sbr.rel @p0 .LBB1_3-.Ltmp5, $2  }
0x60: {  	_ =	sdelay $0x2  }
0x61: {  	s18 =	simm.s32 $0x2000;
	p1 =	por $0x0, $0x0  }
.Ltmp6:
0x62: {  	(pc) =	sbr.rel .LBB1_9-.Ltmp6, $4  }
0x63: {  	_ = 	snop  }
0x64: {  	s12 =	sshll.u32 s12, $0xA  }
0x65: {  	s12 =	sadd.s32 s4, s12  }
0x66: {  	[hbm4b:s12+s8] =	stream.linear.scatter [tilespmem:s14], [sflag:$0x2], $0x4000, $0x38;
	[tilespmem:$0x10000] =	vst v63  }
.LBB1_10:
0x67: {  	_ =	sfence.sel $0x180000  }
0x68: {  	s2 =	simm.s32 $0x1;
	[bflag:$0x0] =	sbarrier.arrive $0xFFFF  }
0x69: {  	s31 =	simm.s32 $0x2;
	[sflag:s2] =	ssyncpa.u1 $0x1  }
0x6a: {  	[sflag:s31] =	ssyncpa.u1 $0x1  }
0x6b: {  	p0 =	sne.s32 s0, $0x0;
	_ =	strace $0x90000047  }
0x6c: {  	s0 =	sadd.s32 @!p0 $0x100000, s1;
	[bflag:$0x2] =	sbarrier.arrive $0xFFFF  }
0x6d: {  	[sflag:s0] =	ssyncadd.tile.s32 @!p0 $0x1;
	_ =	shalt  }
.Lfunc_end1:
_tile_overlayer_lowered:
.L_overlay_start_2:
0x6e: {  	(tag) =	ssettag $0x2  }
0x6f: {  	s0 =	rddreg [dreg:$0x0];
	s2 =	stileid.u32  }
0x70: {  	s1 =	rddreg [dreg:$0x1];
	p0 =	sne.s32 s2, $0x0  }
0x71: {  	s3 =	rddreg [dreg:$0x2];
	[bflag:$0x3] =	sbarrier.arrive $0xFFFF;
	s2 =	simm.s32 @!p0 $0x1C01  }
0x72: {  	[timem:s3], [sflag:s2] =	dma.local @!p0 [hbm:s0], s1  }
0x73: {  	s0 =	simm.s32 @!p0 $0x1  }
0x74: {  	_ =	swait.ge @!p0 [sflag:s0], s1  }
0x75: {  	s1 =	ssub.s32 @!p0 $0x0, s1;
	[sflag:s0] =	ssyncset.done @!p0 $0x0  }
0x76: {  	[sflag:s0] =	ssyncadd.s32 @!p0 s1  }
0x77: {  	[bflag:$0x3] =	sbarrier.arrive $0xFFFF  }
0x78: {  	_ =	shalt  }

// kernel: sparse-core-data-format-call.cloned.1.call-start
scs
called_computation_lowered:
.L_overlay_start_0:
0x0: {  	s2 =	sld [smem:$0x3FD9]  }
0x1: {  	s3 =	sld [smem:$0x3FFE];
	_ =	sdelay $0x1  }
0x2: {  	s1 =	srdreg.scid  }
0x3: {  	s0 =	sand.u32 $0x1, s1  }
0x4: {  	s18 =	sshll.u32 s0, $0xA;
	s2 =	sadd.s32 s3, s2  }
0x5: {  	s2 =	sadd.s32 s2, s18  }
0x6: {  	[smem:$0x3FB5] =	sst s2  }
0x7: {  	_ = 	snop  }
0x8: {  	s2 =	sld [smem:$0x3FD0];
	(tm) =	ssettm $0x1  }
0x9: {  	s19 =	sld [smem:$0x3FFB];
	_ =	sdelay $0x3  }
0xa: {  	_ =	strace s19  }
0xb: {  	s3 =	sld [smem:$0x3FFC];
	_ =	sdelay $0x3  }
0xc: {  	_ =	strace s3  }
0xd: {  	s3 =	sld [smem:$0x3FFD];
	_ =	sdelay $0x3  }
0xe: {  	_ =	strace s3  }
0xf: {  	_ =	strace $0x8FFFFFFF  }
0x10: {  	s20 =	sld [smem:$0x3FDB];
	_ =	sdelay $0x1  }
0x11: {  	s4 =	simm.s32 $_scs_section_size  }
0x12: {  	s5 =	simm.s32 $_size__tile_overlayer_lowered;
	s6 =	simm.s32 $_tile_overlayer_lowered  }
0x13: {  	s23 =	simm.s32 $0x1BFF;
	s22 =	sshll.u32 s6, $0x1;
	s3 =	sadd.s32 s4, s20  }
0x14: {  	s7 =	simm.s32 $0x0;
	s21 =	sshll.u32 s5, $0x1;
	s5 =	sadd.s32 s22, s3  }
0x15: {  	[timem:s7], [sflag:s23] =	dma.local [hbm:s5], s21  }
0x16: {  	_ =	swait.ge [sflag:s23], s21  }
0x17: {  	s4 =	ssub.s32 $0x0, s21;
	[sflag:s23] =	ssyncset.done $0x0  }
0x18: {  	[sflag:s23] =	ssyncadd.s32 s4;
	_ =	sdelay $0x1  }
0x19: {  	s24 =	simm.s32 $0x1B8B  }
0x1a: {  	_ =	swait.ge [sflag:s24], $0x1  }
0x1b: {  	[sflag:s24] =	ssyncset.done $0x0  }
0x1c: {  	s26 =	simm.s32 $0x1B8E;
	s25 =	sld [smem:$0x3FFE];
	[sflag:s24] =	ssyncadd.s32 $0xFFFFFFFF  }
0x1d: {  	s27 =	simm.s32 $execute0_lowered;
	[smem:$0x3FD2] =	sst s26  }
0x1e: {  	s5 =	sshll.u32 s27, $0x1;
	_ =	strace $0x80000049;
	[dreg:$0x1] =	wrdreg $0xFFFFFFFF  }
0x1f: {  	s28 =	simm.s32 $_size_execute0_lowered;
	s3 =	sadd.s32 s3, s5;
	[dreg:$0x0] =	wrdreg $0x0  }
0x20: {  	s5 =	sshll.u32 s28, $0x1;
	[dreg:$0x2] =	wrdreg s3  }
0x21: {  	[dreg:$0x3] =	wrdreg s5  }
0x22: {  	[dreg:$0x4] =	wrdreg $0xC0  }
0x23: {  	_ =	task [dreg:s7], $0x5FFFF  }
0x24: {  	[dreg:$0x1] =	wrdreg $0xFFFFFFFF  }
0x25: {  	[dreg:$0x0] =	wrdreg $0x60  }
0x26: {  	[dreg:$0x2] =	wrdreg s25  }
0x27: {  	[dreg:$0x3] =	wrdreg s2  }
0x28: {  	[dreg:$0x4] =	wrdreg $0x9  }
0x29: {  	_ =	task.clear_ibuf [dreg:s7], $0x5FFFF;
	_ =	strace $0x90000049  }
0x2a: {  	s29 =	simm.s32 $0x9;
	_ =	strace $0x8000004B  }
0x2b: {  	_ =	swait.ge [sflag:s29], $0x1  }
0x2c: {  	[sflag:s29] =	ssyncadd.s32 $0xFFFFFFFF  }
0x2d: {  	_ =	strace $0x9000004B  }
0x2e: {  	_ =	sfence  }
0x2f: {  	s30 =	sld [smem:$0x0];
	_ =	sdelay $0x2  }
0x30: {  	s31 =	sshll.u32 s1, $0xD;
	s1 =	sshrl.u32 s1, $0x2  }
0x31: {  	s3 =	sand.u32 $0x4000, s31;
	s1 =	sadd.s32 s1, s30  }
0x32: {  	s0 =	sor.u32 s3, s0;
	s1 =	sshll.u32 s1, $0x11  }
0x33: {  	s0 =	sor.u32 s1, s0  }
0x34: {  	s0 =	sadd.s32 $0x8F2B, s0  }
0x35: {  	[sflag:s0] =	ssyncadd.remote.s32 $0x1  }
0x36: {  	_ =	sfence.sel $0xFFFF  }
0x37: {  	[dreg:$0x0] =	wrdreg $0xFFFFFFFF;
	(pc) =	sbr.abs _section_cstart, $3  }
0x38: {  	[dreg:$0x1] =	wrdreg $0xFFFFFFFF  }
0x39: {  	_ =	task.clear_ibuf [dreg:s7], $0x2FFFF;
	_ =	strace $0x9FFFFFFF  }
0x3a: {  	(tm) =	ssettm $0x7FFFFFFF  }
0x3b: {  	_ =	shalt  }
tec
execute0_lowered:
.L_overlay_start_1:
0x0: {  	(tag) =	ssettag $0x1  }
0x1: {  	s0 =	stileid.u32;
	s1 =	srdreg.scid  }
0x2: {  	s2 =	sshll.u32 s0, $0x6;
	s1 =	sshll.u32 s1, $0xA  }
0x3: {  	s3 =	sshll.u32 s0, $0x7;
	s2 =	sor.u32 s2, s1  }
0x4: {  	s7 =	rddreg [dreg:$0x0];
	s1 =	sand.u32 $0x80, s3;
	s2 =	sand.u32 $0x780, s2  }
0x5: {  	s8 =	simm.s32 $0x2;
	s3 =	ssub.s32 $0x100, s1;
	s4 =	ssub.s32 $0x8000, s2  }
0x6: {  	s16 =	simm.s32 $0x0;
	s5 =	sshrl.u32 s3, $0x8;
	s6 =	sand.u32 $0x780, s4  }
0x7: {  	s3 =	sshrl.u32 s3, $0x7;
	p0 =	sne.s32 s6, $0x0;
	s6 =	simm.s32 $0x1  }
0x8: {  	s3 =	sand.u32 $0x1, s3;
	s4 =	sshrl.u32 s4, $0xB;
	s6 =	simm.s32 @!p0 $0x0  }
0x9: {  	s9 =	simm.s32 $0x800;
	s3 =	sadd.s32 s5, s3;
	s31 =	sadd.s32 s6, s4  }
0xa: {  	s14 =	simm.s32 $0x0;
	s15 =	simm.s32 $0x0;
	s6 =	smul.u32 s31, s3  }
.Ltmp0:
0xb: {  	s12 =	simm.s32 $0x0;
	s13 =	simm.s32 $0x0;
	(pc) =	sbr.rel .LBB1_1-.Ltmp0, $4  }
0xc: {  	s7 =	sadd.s32 $0x2E00, s7;
	s5 =	simm.s32 $0x1;
	s4 =	rddreg [dreg:$0x1]  }
0xd: {  	s3 =	rddreg [dreg:$0x2];
	_ =	strace $0x8000004A;
	s6 =	smul.u32 $0x5, s6  }
0xe: {  	s11 =	smov.u32 s1;
	s10 =	smov.u32 s2;
	[sflag:s5] =	ssyncpa.u1 $0x0  }
0xf: {  	p0 =	por $0x0, $0x0;
	[sflag:s8] =	ssyncpa.u1 $0x0;
	s8 =	sadd.s32 $0x1, s6  }
.LBB1_4:
0x10: {  	v5 =	vld [tilespmem:s20+$0xFFFFFFD0]  }
0x11: {  	[tilespmem:s18+$0x2040 ss:$0x81] =	vst.msk $0xffff, v1;
	v58 =	vld [tilespmem:s20+$0xFFFFFFE0]  }
0x12: {  	[tilespmem:s18+$0x2850 ss:$0x81] =	vst.msk $0xffff, v2;
	v59 =	vld [tilespmem:s20+$0xFFFFFFF0]  }
0x13: {  	s21 =	sshra.s32 s21, $0x2;
	[tilespmem:s18+$0x3060 ss:$0x81] =	vst.msk $0xffff, v3;
	v60 =	vld [tilespmem:s20+$0x0]  }
0x14: {  	v61 =	vld [tilespmem:s20+$0x10];
	[tilespmem:s18+$0x0 ss:$0x81] =	vst.msk $0xffff, v0;
	s19 =	sadd.s32 s21, s19  }
0x15: {  	s25 =	sshll.u32 s16, $0x8;
	v62 =	vld [tilespmem:s20+$0x20];
	[tilespmem:s19+$0x3870 ss:$0x81] =	vst.msk $0xffff, v4  }
0x16: {  	s22 =	sshll.u32 s14, $0x3;
	v63 =	vld [tilespmem:s20+$0xFFFFFFC0];
	s30 =	sand.u32 $0x78, s14;
	s15 =	sshll.u32 s15, $0x14;
	[tilespmem:s19+$0x810 ss:$0x81] =	vst.msk $0xffff, v5  }
0x17: {  	s28 =	sshll.u32 s16, $0x7;
	s26 =	sand.u32 $0x7FF800, s25;
	s27 =	sand.u32 $0x7FFC00, s22;
	[tilespmem:s19+$0x1020 ss:$0x81] =	vst.msk $0xffff, v58  }
0x18: {  	s29 =	sand.u32 $0x300, s28;
	s16 =	sand.u32 $0x80, s28;
	s18 =	sadd.s32 s27, s26;
	[tilespmem:s19+$0x1830 ss:$0x81] =	vst.msk $0xffff, v59  }
0x19: {  	s31 =	sand.u32 $0x7, s14;
	s16 =	sor.u32 s30, s16;
	s18 =	sor.u32 s29, s18;
	[tilespmem:s19+$0x2040 ss:$0x81] =	vst.msk $0xffff, v60  }
0x1a: {  	s15 =	sadd.s32 s4, s15;
	s16 =	sshrl.u32 s16, $0x3;
	s18 =	sshrl.u32 s18, $0x3;
	[tilespmem:s19+$0x2850 ss:$0x81] =	vst.msk $0xffff, v61  }
0x1b: {  	s14 =	sshll.u32 s31, $0x12;
	s15 =	sadd.s32 s16, s15;
	[tilespmem:s19+$0x3060 ss:$0x81] =	vst.msk $0xffff, v62;
	s18 =	sand.u32 $0xFFFE0, s18  }
0x1c: {  	s14 =	sor.u32 $0x400, s14;
	[tilespmem:s19+$0x0 ss:$0x81] =	vst.msk $0xffff, v63;
	s15 =	sadd.s32 s18, s15  }
0x1d: {  	[hbm4b:s15+s14] =	stream.strided.scatter [tilespmem:s17], [sflag:$0x2], $0x4000, s9, s14, $0x20;
	[tilespmem:$0x10100] =	vst v63  }
.LBB1_5:
0x1e: {  	s17 =	sadd.s32 $0x800, s10  }
0x1f: {  	s14 =	sadd.s32 $0x100, s11;
	s18 =	smov.u32 s11;
	p2 =	sgt.s32 s17, $0x7FFF  }
0x20: {  	s18 =	smov.u32 @p2 s14  }
0x21: {  	s14 =	simm.s32 $0x1;
	p3 =	sgt.s32 s18, $0xFF  }
0x22: {  	s14 =	simm.s32 @!p3 $0x0  }
0x23: {  	s20 =	sadd.s32 s14, s12  }
0x24: {  	s17 =	smov.u32 @p2 s2;
	p2 =	sgt.s32 s20, $0x4  }
0x25: {  	p1 =	slt.u32 s13, $0x2;
	s20 =	simm.s32 @p2 $0x0;
	p2 =	sne.s32 s13, s8  }
.Ltmp1:
0x26: {  	s19 =	simm.s32 @!p1 $0x2;
	(pc) =	sbr.rel @!p2 .LBB1_6-.Ltmp1, $4  }
0x27: {  	s16 =	smov.u32 s10;
	s15 =	smov.u32 s12;
	_ =	swait.ge @!p1 [sflag:s19], $0x4000  }
0x28: {  	p0 =	por !p0, !p0;
	[sflag:s19] =	ssyncset.done @!p1 $0x0;
	s10 =	smov.u32 s17  }
0x29: {  	s18 =	smov.u32 @p3 s1;
	[sflag:s19] =	ssyncadd.s32 @!p1 $0xFFFFC000;
	s14 =	smov.u32 s11  }
0x2a: {  	s11 =	smov.u32 s18;
	s13 =	sadd.s32 $0x1, s13;
	s12 =	smov.u32 s20  }
.LBB1_1:
0x2b: {  	p1 =	sge.u32 s13, s6;
	s31 =	sadd.s32 $0xFFFFFFFF, s13  }
0x2c: {  	s17 =	sxor.u32 @!p1 $0xFFFFFFFF, s13;
	s18 =	sand.u32 @!p1 $0x78, s10;
	s19 =	sshll.u32 @!p1 s11, $0xF  }
0x2d: {  	s20 =	sshll.u32 @!p1 s11, $0x7;
	s21 =	sshll.u32 @!p1 s10, $0x3;
	s17 =	sshll.u32 @!p1 s17, $0xE  }
0x2e: {  	s19 =	sand.u32 @!p1 $0x7C0000, s19;
	s20 =	sand.u32 @!p1 $0x380, s20;
	s17 =	sand.u32 @!p1 $0x4000, s17  }
0x2f: {  	s19 =	sadd.s32 @!p1 s19, s21;
	s21 =	sand.u32 @!p1 $0x7C00, s21;
	s18 =	sor.u32 @!p1 s20, s18  }
0x30: {  	s20 =	sshll.u32 @!p1 s12, $0x14;
	s18 =	sor.u32 @!p1 s21, s18;
	s19 =	sshrl.u32 @!p1 s19, $0x3  }
0x31: {  	s20 =	sadd.s32 @!p1 s7, s20;
	s21 =	sand.u32 @!p1 $0x7, s10;
	s19 =	sand.u32 @!p1 $0xFF000, s19  }
0x32: {  	s18 =	sshrl.u32 @!p1 s18, $0x3;
	s19 =	sadd.s32 @!p1 s19, s20;
	s20 =	sshll.u32 @!p1 s21, $0x12  }
0x33: {  	s18 =	sadd.s32 @!p1 s18, s19;
	s19 =	sor.u32 @!p1 $0x400, s20;
	s20 =	simm.s32 @!p1 $0x40000  }
0x34: {  	[tilespmem:s17], [sflag:$0x1] =	stream.strided.gather @!p1 [hbm4b:s18+s19], $0x4000, s20, s19, $0x38;
	[tilespmem:$0x10100] =	vst v63  }
0x35: {  	p1 =	sge.u32 s31, s6  }
.Ltmp2:
0x36: {  	_ = 	snop;
	(pc) =	sbr.rel @p1 .LBB1_5-.Ltmp2, $1  }
0x37: {  	_ =	sdelay $0x3  }
0x38: {  	s17 =	simm.s32 $0x1  }
0x39: {  	_ =	swait.ge [sflag:s5], $0x4000;
	s17 =	simm.s32 @!p0 $0x0  }
0x3a: {  	[sflag:s5] =	ssyncset.done $0x0;
	s18 =	sshll.u32 s17, $0xE  }
0x3b: {  	[sflag:s5] =	ssyncadd.s32 $0xFFFFC000;
	s20 =	sor.u32 $0x40, s18  }
0x3c: {  	s17 =	smul.u32 $0x10200, s17;
	v0 =	vld [tilespmem:s20+$0x30]  }
0x3d: {  	v3 =	vld [tilespmem:s20+$0xFFFFFFD0]  }
0x3e: {  	s17 =	sshrl.u32 s17, $0x2;
	v4 =	vld [tilespmem:s20+$0xFFFFFFE0]  }
0x3f: {  	v5 =	vld [tilespmem:s20+$0xFFFFFFF0];
	s19 =	sor.u32 $0x8000, s17  }
0x40: {  	s31 =	sand.u32 $0x1, s13;
	v1 =	vld [tilespmem:s20+$0x0];
	s18 =	sadd.s32 $0x0, s19  }
0x41: {  	v2 =	vld [tilespmem:s20+$0x10];
	s17 =	smul.u32 $0x10200, s31;
	[tilespmem:s18+$0x3870 ss:$0x81] =	vst.msk $0xffff, v0  }
0x42: {  	[tilespmem:s18+$0x810 ss:$0x81] =	vst.msk $0xffff, v3;
	v3 =	vld [tilespmem:s20+$0x20]  }
0x43: {  	s17 =	sshrl.u32 s17, $0x2;
	v0 =	vld [tilespmem:s20+$0xFFFFFFC0];
	[tilespmem:s18+$0x1020 ss:$0x81] =	vst.msk $0xffff, v4;
	s20 =	sadd.s32 $0x80, s20  }
0x44: {  	s21 =	simm.s32 $0x4;
	s22 =	simm.s32 $0x8;
	s17 =	sor.u32 $0x8000, s17;
	[tilespmem:s18+$0x1830 ss:$0x81] =	vst.msk $0xffff, v5;
	v4 =	vld [tilespmem:s20+$0x30]  }
.LBB1_3:
0x45: {  	p1 =	sne.s32 s22, $0x1FC;
	v5 =	vld [tilespmem:s20+$0xFFFFFFD0];
	[tilespmem:s18+$0x2040 ss:$0x81] =	vst.msk $0xffff, v1  }
0x46: {  	v6 =	vld [tilespmem:s20+$0xFFFFFFE0];
	[tilespmem:s18+$0x2850 ss:$0x81] =	vst.msk $0xffff, v2  }
0x47: {  	s23 =	sshra.s32 s21, $0x2;
	s21 =	smov.u32 s22;
	v7 =	vld [tilespmem:s20+$0xFFFFFFF0];
	[tilespmem:s18+$0x3060 ss:$0x81] =	vst.msk $0xffff, v3  }
.Ltmp3:
0x48: {  	v1 =	vld [tilespmem:s20+$0x0];
	[tilespmem:s18+$0x0 ss:$0x81] =	vst.msk $0xffff, v0;
	s18 =	sadd.s32 s23, s19;
	(pc) =	sbr.rel @p1 .LBB1_3-.Ltmp3, $4  }
0x49: {  	v2 =	vld [tilespmem:s20+$0x10];
	[tilespmem:s18+$0x3870 ss:$0x81] =	vst.msk $0xffff, v4  }
0x4a: {  	[tilespmem:s18+$0x810 ss:$0x81] =	vst.msk $0xffff, v5;
	v3 =	vld [tilespmem:s20+$0x20]  }
0x4b: {  	v0 =	vld [tilespmem:s20+$0xFFFFFFC0];
	[tilespmem:s18+$0x1020 ss:$0x81] =	vst.msk $0xffff, v6;
	s20 =	sadd.s32 $0x80, s20  }
0x4c: {  	s22 =	sadd.s32 $0x4, s22;
	v4 =	vld [tilespmem:s20+$0x30];
	[tilespmem:s18+$0x1830 ss:$0x81] =	vst.msk $0xffff, v7  }
.Ltmp4:
0x4d: {  	_ = 	snop;
	(pc) =	sbr.rel .LBB1_4-.Ltmp4, $1  }
0x4e: {  	_ =	sdelay $0x3  }
.LBB1_6:
0x4f: {  	_ =	sfence.sel $0x180000  }
0x50: {  	s1 =	simm.s32 $0x1;
	[bflag:$0x0] =	sbarrier.arrive $0xFFFF  }
0x51: {  	s31 =	simm.s32 $0x2;
	[sflag:s1] =	ssyncpa.u1 $0x1  }
0x52: {  	[sflag:s31] =	ssyncpa.u1 $0x1  }
0x53: {  	p0 =	sne.s32 s0, $0x0;
	_ =	strace $0x9000004A  }
0x54: {  	s0 =	sadd.s32 @!p0 $0x100000, s3;
	[bflag:$0x2] =	sbarrier.arrive $0xFFFF  }
0x55: {  	[sflag:s0] =	ssyncadd.tile.s32 @!p0 $0x1;
	_ =	shalt  }
.Lfunc_end1:
_tile_overlayer_lowered:
.L_overlay_start_2:
0x56: {  	(tag) =	ssettag $0x2  }
0x57: {  	s0 =	rddreg [dreg:$0x0];
	s2 =	stileid.u32  }
0x58: {  	s1 =	rddreg [dreg:$0x1];
	p0 =	sne.s32 s2, $0x0  }
0x59: {  	s3 =	rddreg [dreg:$0x2];
	[bflag:$0x3] =	sbarrier.arrive $0xFFFF;
	s2 =	simm.s32 @!p0 $0x1C01  }
0x5a: {  	[timem:s3], [sflag:s2] =	dma.local @!p0 [hbm:s0], s1  }
0x5b: {  	s0 =	simm.s32 @!p0 $0x1  }
0x5c: {  	_ =	swait.ge @!p0 [sflag:s0], s1  }
0x5d: {  	s1 =	ssub.s32 @!p0 $0x0, s1;
	[sflag:s0] =	ssyncset.done @!p0 $0x0  }
0x5e: {  	[sflag:s0] =	ssyncadd.s32 @!p0 s1  }
0x5f: {  	[bflag:$0x3] =	sbarrier.arrive $0xFFFF  }
0x60: {  	_ =	shalt  }

</sc_bundles>
